<compile_context>
chip_gen: v7x
topology: tpu7x:2x2x1
jax: 0.10.2.dev20260603
libtpu: 0.0.44.dev20260713+nightly
codegen_flags: <defaults>
</compile_context>

<pallas_src>
import functools

import jax
import jax.numpy as jnp
from jax import lax
from jax.experimental import pallas as pl
from jax.experimental.pallas import tpu as pltpu
from jax.experimental.pallas import tpu_sc as plsc

N = 10000
E = 320000
D = 128
H = 128
A = 64
K = 8
OUT = 64
V = 129
VP = 256

NC = 2
NS = 16
NW = NC * NS
CHUNK = 128
CHUNKS_PT = 80
EP = NW * CHUNK * CHUNKS_PT
TOT_CHUNKS = NW * CHUNKS_PT
ROWS_PT = 632
NPAD = NS * ROWS_PT

_SC_MESH = plsc.VectorSubcoreMesh(
    core_axis_name="c", subcore_axis_name="s", num_cores=NC, num_subcores=NS)




def _sc_agg_body(table, edges, zrows, agg_out,
                 idx_a, idx_b, rows_a, rows_b, agg_sh, sem_ga, sem_gb, sem_s):
    c = lax.axis_index("c")
    s = lax.axis_index("s")
    r0 = s * ROWS_PT
    off = c * NPAD + r0

    pltpu.sync_copy(zrows, agg_sh.at[pl.ds(r0, ROWS_PT)])
    plsc.subcore_barrier()

    base = (c * NS + s) * CHUNKS_PT

    def body(p, _):
        k = base + 2 * p
        pltpu.sync_copy(edges.at[k], idx_a)
        pltpu.sync_copy(edges.at[k + 1], idx_b)
        ga = pltpu.async_copy(table.at[idx_a.at[0]], rows_a, sem_ga)
        gb = pltpu.async_copy(table.at[idx_b.at[0]], rows_b, sem_gb)
        ga.wait()
        sa = pltpu.async_copy(rows_a, agg_sh.at[idx_a.at[1]], sem_s, add=True)
        gb.wait()
        sb = pltpu.async_copy(rows_b, agg_sh.at[idx_b.at[1]], sem_s, add=True)
        sa.wait()
        sb.wait()
        return 0

    lax.fori_loop(0, CHUNKS_PT // 2, body, 0)
    plsc.subcore_barrier()

    pltpu.sync_copy(agg_sh.at[pl.ds(r0, ROWS_PT)], agg_out.at[pl.ds(off, ROWS_PT)])


_sc_agg = pl.kernel(
    _sc_agg_body,
    out_type=[jax.ShapeDtypeStruct((NC * NPAD, H), jnp.float32)],
    mesh=_SC_MESH,
    scratch_types=[
        pltpu.VMEM((2, CHUNK), jnp.int32),
        pltpu.VMEM((2, CHUNK), jnp.int32),
        pltpu.VMEM((CHUNK, H), jnp.float32),
        pltpu.VMEM((CHUNK, H), jnp.float32),
        pltpu.VMEM_SHARED((NPAD, H), jnp.float32),
        pltpu.SemaphoreType.DMA,
        pltpu.SemaphoreType.DMA,
        pltpu.SemaphoreType.DMA,
    ],
)


def _sc_deg_body(edges, zrows, ones, deg_out, idx_a, idx_b, ones_v, deg_sh, sem):
    c = lax.axis_index("c")
    s = lax.axis_index("s")
    r0 = s * ROWS_PT
    off = c * NPAD + r0

    pltpu.sync_copy(zrows, deg_sh.at[pl.ds(r0, ROWS_PT)])
    pltpu.sync_copy(ones, ones_v)
    plsc.subcore_barrier()

    base = (c * NS + s) * CHUNKS_PT

    def body(p, _):
        k = base + 2 * p
        pltpu.sync_copy(edges.at[k], idx_a)
        pltpu.sync_copy(edges.at[k + 1], idx_b)
        sa = pltpu.async_copy(ones_v, deg_sh.at[idx_a.at[1]], sem, add=True)
        sb = pltpu.async_copy(ones_v, deg_sh.at[idx_b.at[1]], sem, add=True)
        sa.wait()
        sb.wait()
        return 0

    lax.fori_loop(0, CHUNKS_PT // 2, body, 0)
    plsc.subcore_barrier()
    pltpu.sync_copy(deg_sh.at[pl.ds(r0, ROWS_PT)], deg_out.at[pl.ds(off, ROWS_PT)])


_sc_deg = pl.kernel(
    _sc_deg_body,
    out_type=[jax.ShapeDtypeStruct((NC * NPAD, H), jnp.float32)],
    mesh=_SC_MESH,
    scratch_types=[
        pltpu.VMEM((2, CHUNK), jnp.int32),
        pltpu.VMEM((2, CHUNK), jnp.int32),
        pltpu.VMEM((CHUNK, H), jnp.float32),
        pltpu.VMEM_SHARED((NPAD, H), jnp.float32),
        pltpu.SemaphoreType.DMA,
    ],
)



BN1 = 1000
BN2 = 400

_IU, _JU = zip(*[(i, j) for i in range(K) for j in range(i + 1, K)])
NPAIR = len(_IU)


def _dense1_body(a0, a1, d0, d1, w, h_out, d_out):
    agg = a0[...] + a1[...]
    deg = jnp.maximum(d0[:, 0:1] + d1[:, 0:1], 1.0)
    h = jnp.dot(agg, w[...], preferred_element_type=jnp.float32) / deg
    h_out[...] = jnp.maximum(h, 0.0)
    d_out[...] = deg


def _dense1(a0, a1, d0, d1, w):
    grid = N // BN1
    return pl.pallas_call(
        _dense1_body,
        grid=(grid,),
        in_specs=[
            pl.BlockSpec((BN1, H), lambda i: (i, 0)),
            pl.BlockSpec((BN1, H), lambda i: (i, 0)),
            pl.BlockSpec((BN1, H), lambda i: (i, 0)),
            pl.BlockSpec((BN1, H), lambda i: (i, 0)),
            pl.BlockSpec((H, H), lambda i: (0, 0)),
        ],
        out_specs=[
            pl.BlockSpec((BN1, H), lambda i: (i, 0)),
            pl.BlockSpec((BN1, 1), lambda i: (i, 0)),
        ],
        out_shape=[
            jax.ShapeDtypeStruct((N, H), jnp.float32),
            jax.ShapeDtypeStruct((N, 1), jnp.float32),
        ],
    )(a0, a1, d0, d1, w)


def _dense2_body(a0, a1, d, w2, fi, fv, fme, aw, ab, ap, pw1, pw2, pb,
                 out_ref):
    agg = a0[...] + a1[...]
    deg = d[...]
    h2 = jnp.maximum(
        jnp.dot(agg, w2[...], preferred_element_type=jnp.float32) / deg, 0.0)

    fii = fi[...]
    fvv = fv[...]
    iota = lax.broadcasted_iota(jnp.int32, (BN2, VP), 1)
    embs = []
    for k in range(K):
        oh = jnp.where(iota == fii[:, k:k + 1], fvv[:, k:k + 1], 0.0)
        embs.append(jnp.dot(oh, fme[...], preferred_element_type=jnp.float32))

    aww = aw[...]
    abb = ab[...]
    app = ap[...]
    scores = []
    for i, j in zip(_IU, _JU):
        pij = embs[i] * embs[j]
        att = jnp.maximum(
            jnp.dot(pij, aww, preferred_element_type=jnp.float32) + abb, 0.0)
        scores.append(jnp.sum(att * app, axis=1, keepdims=True))
    sc = jnp.concatenate(scores, axis=1)
    m = jnp.max(sc, axis=1, keepdims=True)
    e = jnp.exp(sc - m)
    alpha = e / jnp.sum(e, axis=1, keepdims=True)

    afm = jnp.zeros((BN2, H), jnp.float32)
    for p, (i, j) in enumerate(zip(_IU, _JU)):
        afm = afm + alpha[:, p:p + 1] * (embs[i] * embs[j])

    out = (jnp.dot(h2, pw1[...], preferred_element_type=jnp.float32)
           + jnp.dot(afm, pw2[...], preferred_element_type=jnp.float32)
           + pb[...])
    out_ref[...] = out


def _dense2(a0, a1, d, w2, fi, fv, fme, aw, ab, ap, pw1, pw2, pb):
    grid = N // BN2
    row = lambda i: (i, 0)
    full = lambda i: (0, 0)
    return pl.pallas_call(
        _dense2_body,
        grid=(grid,),
        in_specs=[
            pl.BlockSpec((BN2, H), row),
            pl.BlockSpec((BN2, H), row),
            pl.BlockSpec((BN2, 1), row),
            pl.BlockSpec((H, H), full),
            pl.BlockSpec((BN2, K), row),
            pl.BlockSpec((BN2, K), row),
            pl.BlockSpec((VP, H), full),
            pl.BlockSpec((H, A), full),
            pl.BlockSpec((1, A), full),
            pl.BlockSpec((1, A), full),
            pl.BlockSpec((H, OUT), full),
            pl.BlockSpec((H, OUT), full),
            pl.BlockSpec((1, OUT), full),
        ],
        out_specs=pl.BlockSpec((BN2, OUT), row),
        out_shape=jax.ShapeDtypeStruct((N, OUT), jnp.float32),
    )(a0, a1, d, w2, fi, fv, fme, aw, ab, ap, pw1, pw2, pb)


def kernel(x, edge_index, feat_idx, feat_val, W1, W2, fm_embedding,
           attn_W, attn_b, attn_p, proj_W, proj_b):
    src = edge_index[0]
    dst = edge_index[1]
    pad = EP - E
    src_p = jnp.concatenate([src, jnp.zeros((pad,), src.dtype)])
    dst_p = jnp.concatenate([dst, jnp.full((pad,), N, dst.dtype)])
    edges = jnp.stack(
        [src_p.reshape(TOT_CHUNKS, CHUNK), dst_p.reshape(TOT_CHUNKS, CHUNK)],
        axis=1)

    zrows = jnp.zeros((ROWS_PT, H), jnp.float32)
    ones128 = jnp.ones((CHUNK, H), jnp.float32)

    (aggp1,) = _sc_agg(x, edges, zrows)
    (degp,) = _sc_deg(edges, zrows, ones128)

    h1, dcol = _dense1(aggp1[:N], aggp1[NPAD:NPAD + N],
                       degp[:N], degp[NPAD:NPAD + N], W1)

    (aggp2,) = _sc_agg(h1, edges, zrows)

    fme = jnp.concatenate(
        [fm_embedding, jnp.zeros((VP - V, H), jnp.float32)], axis=0)
    out = _dense2(aggp2[:N], aggp2[NPAD:NPAD + N], dcol, W2,
                  feat_idx, feat_val, fme,
                  attn_W, attn_b, attn_p.reshape(1, A),
                  proj_W[:H], proj_W[H:], proj_b.reshape(1, OUT))
    return out

# --- scband reference (transcript-rebuilt; emitter-appended) ---
"""Pipeline reference for scband-gcn-afm-7928509629243 (READ-ONLY COPY).

The authoritative reference and input builder live on the scoring server;
editing this copy changes nothing except your own understanding.
"""

import jax, jax.numpy as jnp
import numpy as np

N = 10000      # n_nodes
E = 320000     # n_edges
D = 128        # input_dim / d_feat
H = 128        # FLAGS.hidden1
A = 64         # FLAGS.attn_dims
K = 8          # valid_dimension (nonzero FM fields per node)
OUT = 64       # output_dim (n_classes)
V = D + 1      # fm_embedding rows (zero row prepended + input_dim rows)


def setup_inputs(seed: int = 0) -> dict:
    key = jax.random.key(seed)
    ks = jax.random.split(key, 13)
    x = jax.random.normal(ks[0], (N, D), dtype=jnp.float32)
    edge_index = jax.random.randint(ks[1], (2, E), 0, N)
    feat_idx = jax.random.randint(ks[2], (N, K), 0, V)
    feat_val = jax.random.uniform(ks[3], (N, K), dtype=jnp.float32)
    # learned parameters
    W1 = jax.random.normal(ks[4], (D, H), dtype=jnp.float32) * (1.0 / np.sqrt(D))
    W2 = jax.random.normal(ks[5], (H, H), dtype=jnp.float32) * (1.0 / np.sqrt(H))
    fm_raw = jax.random.normal(ks[6], (D, H), dtype=jnp.float32) * 0.05
    fm_embedding = jnp.concatenate([jnp.zeros((1, H), jnp.float32), fm_raw], axis=0)  # [V, H]
    attn_W = jax.random.normal(ks[7], (H, A), dtype=jnp.float32) * (1.0 / np.sqrt(H))
    attn_b = jax.random.normal(ks[8], (1, A), dtype=jnp.float32) * 0.01
    attn_p = jax.random.normal(ks[9], (A,), dtype=jnp.float32) * (1.0 / np.sqrt(A))
    proj_W = jax.random.normal(ks[10], (2 * H, OUT), dtype=jnp.float32) * (1.0 / np.sqrt(2 * H))
    proj_b = jnp.zeros((OUT,), jnp.float32)
    return {
        "x": x, "edge_index": edge_index, "feat_idx": feat_idx, "feat_val": feat_val,
        "W1": W1, "W2": W2, "fm_embedding": fm_embedding,
        "attn_W": attn_W, "attn_b": attn_b, "attn_p": attn_p,
        "proj_W": proj_W, "proj_b": proj_b,
    }


def reference(x, edge_index, feat_idx, feat_val, W1, W2, fm_embedding,
              attn_W, attn_b, attn_p, proj_W, proj_b):
    src = edge_index[0]
    dst = edge_index[1]
    deg = jnp.maximum(jnp.bincount(dst, length=N).astype(x.dtype), 1.0)

    def gconv(h, W):
        msg = jnp.take(h, src, axis=0)                       # gather over edges
        agg = jax.ops.segment_sum(msg, dst, num_segments=N)  # scatter-add to dst nodes
        agg = agg / deg[:, None]                             # mean normalization (norm adjacency)
        return jax.nn.relu(agg @ W)

    # two GraphConvolution layers (precalc=False, residual=False)
    h1 = gconv(x, W1)
    h2 = gconv(h1, W2)

    # AFM branch: embedding lookup (row 0 is zero-padding) scaled by feature values
    emb = jnp.take(fm_embedding, feat_idx, axis=0) * feat_val[..., None]  # [N, K, H]
    iu, ju = np.triu_indices(K, k=1)
    pair = emb[:, iu, :] * emb[:, ju, :]                     # [N, P, H] pairwise interactions
    att = jax.nn.relu(pair @ attn_W + attn_b[None, :, :])    # additive attention [N, P, A]
    scores = jnp.einsum('npa,a->np', att, attn_p)            # [N, P]
    alpha = jax.nn.softmax(scores, axis=1)
    afm = jnp.sum(alpha[..., None] * pair, axis=1)           # [N, H]

    # project concat(GCN, AFM) -> logits
    out = jnp.concatenate([h2, afm], axis=1) @ proj_W + proj_b
    return out

if __name__ == "__main__":
    import jax
    _d = setup_inputs()
    print(jax.jit(kernel)(*tuple(_d.values())))

</pallas_src>

<mosaic_0001>
#map = affine_map<(d0, d1) -> (0, 0, 0)>
#map1 = affine_map<(d0, d1) -> (0, 0)>
module attributes {stable_mosaic.version = 14 : i64} {
  func.func @_sc_deg_body(%arg0: i32, %arg1: i32, %arg2: memref<2560x2x128xi32, #tpu.memory_space<hbm>>, %arg3: memref<632x128xf32, #tpu.memory_space<hbm>>, %arg4: memref<128x128xf32, #tpu.memory_space<hbm>>, %arg5: memref<20224x128xf32, #tpu.memory_space<hbm>>, %arg6: memref<2x128xi32, #tpu.memory_space<vmem>>, %arg7: memref<2x128xi32, #tpu.memory_space<vmem>>, %arg8: memref<128x128xf32, #tpu.memory_space<vmem>>, %arg9: memref<10112x128xf32, #tpu.memory_space<vmem_shared>>, %arg10: memref<!tpu.dma_semaphore, #tpu.memory_space<semaphore_mem>>) attributes {dimension_semantics = [#tpu.dimension_semantics<core_parallel>, #tpu.dimension_semantics<subcore_parallel>], iteration_bounds = array<i64: 2, 16>, scalar_prefetch = 0 : i64, scratch_operands = 5 : i64, tpu.core_type = #tpu.core_type<sc_vector_subcore>, window_params = [{transform_indices = #map}, {transform_indices = #map1}, {transform_indices = #map1}, {transform_indices = #map1}]} {
    %mul3A = arith.constant 632 : i32
    %mul3A_0 = arith.muli %arg1, %mul3A : i32
    %mul3A_1 = arith.constant 10112 : i32
    %mul3A_2 = arith.muli %arg0, %mul3A_1 : i32
    %add3A = arith.addi %mul3A_2, %mul3A_0 : i32
    "tpu.region"() ({
      %run_scoped3A = tpu.sem_alloc : memref<!tpu.dma_semaphore, #tpu.memory_space<semaphore_mem>>
      %dma_start3A = arith.constant 0 : i32
      %dma_start3A_15 = tpu.memref_slice %arg9[%mul3A_0, %dma_start3A] : memref<10112x128xf32, #tpu.memory_space<vmem_shared>> -> memref<632x128xf32, #tpu.memory_space<vmem_shared>>
      tpu.enqueue_dma source(%arg3 : memref<632x128xf32, #tpu.memory_space<hbm>>) target(%dma_start3A_15 : memref<632x128xf32, #tpu.memory_space<vmem_shared>>) target_semaphore(%run_scoped3A : memref<!tpu.dma_semaphore, #tpu.memory_space<semaphore_mem>>)
      %dma_wait3A = arith.constant 0 : i32
      %dma_wait3A_16 = tpu.memref_slice %arg9[%mul3A_0, %dma_wait3A] : memref<10112x128xf32, #tpu.memory_space<vmem_shared>> -> memref<632x128xf32, #tpu.memory_space<vmem_shared>>
      tpu.wait_dma2 semaphore(%run_scoped3A : memref<!tpu.dma_semaphore, #tpu.memory_space<semaphore_mem>>) src(%arg3 : memref<632x128xf32, #tpu.memory_space<hbm>>) dst(%dma_wait3A_16 : memref<632x128xf32, #tpu.memory_space<vmem_shared>>)
      tpu.yield
    }) : () -> ()
    "tpu.region"() ({
      %run_scoped3A = tpu.sem_alloc : memref<!tpu.dma_semaphore, #tpu.memory_space<semaphore_mem>>
      tpu.enqueue_dma source(%arg4 : memref<128x128xf32, #tpu.memory_space<hbm>>) target(%arg8 : memref<128x128xf32, #tpu.memory_space<vmem>>) target_semaphore(%run_scoped3A : memref<!tpu.dma_semaphore, #tpu.memory_space<semaphore_mem>>)
      tpu.wait_dma2 semaphore(%run_scoped3A : memref<!tpu.dma_semaphore, #tpu.memory_space<semaphore_mem>>) src(%arg4 : memref<128x128xf32, #tpu.memory_space<hbm>>) dst(%arg8 : memref<128x128xf32, #tpu.memory_space<vmem>>)
      tpu.yield
    }) : () -> ()
    %barrier3A = arith.constant 0 : index
    tpu.barrier barrier_id(%barrier3A)
    %mul3A_3 = arith.constant 16 : i32
    %mul3A_4 = arith.muli %arg0, %mul3A_3 : i32
    %add3A_5 = arith.addi %mul3A_4, %arg1 : i32
    %mul3A_6 = arith.constant 80 : i32
    %mul3A_7 = arith.muli %add3A_5, %mul3A_6 : i32
    %scan3A = arith.constant 0 : i32
    %scan3A_8 = arith.constant 0 : i32
    %scan3A_9 = arith.constant 40 : i32
    %scan3A_10 = arith.addi %scan3A_8, %scan3A_9 : i32
    %scan3A_11 = arith.constant 1 : i32
    %scan3A_12 = scf.for %scan3A_15 = %scan3A_8 to %scan3A_10 step %scan3A_11 iter_args(%scan3A_16 = %scan3A) -> (i32)  : i32 {
      %mul3A_17 = arith.constant 2 : i32
      %mul3A_18 = arith.muli %mul3A_17, %scan3A_15 : i32
      %add3A_19 = arith.addi %mul3A_7, %mul3A_18 : i32
      "tpu.region"() ({
        %run_scoped3A = tpu.sem_alloc : memref<!tpu.dma_semaphore, #tpu.memory_space<semaphore_mem>>
        %dma_start3A_49 = arith.constant 0 : i32
        %dma_start3A_50 = arith.constant 0 : i32
        %dma_start3A_51 = tpu.memref_slice %arg2[%add3A_19, %dma_start3A_49, %dma_start3A_50] : memref<2560x2x128xi32, #tpu.memory_space<hbm>> -> memref<1x2x128xi32, #tpu.memory_space<hbm>>
        %dma_start3A_52 = tpu.memref_squeeze %dma_start3A_51 : memref<1x2x128xi32, #tpu.memory_space<hbm>> -> memref<2x128xi32, #tpu.memory_space<hbm>>
        %dma_start3A_53 = arith.constant 0 : i32
        %dma_start3A_54 = arith.constant 0 : i32
        %dma_start3A_55 = tpu.memref_slice %arg2[%add3A_19, %dma_start3A_53, %dma_start3A_54] : memref<2560x2x128xi32, #tpu.memory_space<hbm>> -> memref<1x2x128xi32, #tpu.memory_space<hbm>>
        %dma_start3A_56 = tpu.memref_squeeze %dma_start3A_55 : memref<1x2x128xi32, #tpu.memory_space<hbm>> -> memref<2x128xi32, #tpu.memory_space<hbm>>
        tpu.enqueue_dma source(%dma_start3A_56 : memref<2x128xi32, #tpu.memory_space<hbm>>) target(%arg6 : memref<2x128xi32, #tpu.memory_space<vmem>>) target_semaphore(%run_scoped3A : memref<!tpu.dma_semaphore, #tpu.memory_space<semaphore_mem>>)
        %dma_wait3A_57 = arith.constant 0 : i32
        %dma_wait3A_58 = arith.constant 0 : i32
        %dma_wait3A_59 = tpu.memref_slice %arg2[%add3A_19, %dma_wait3A_57, %dma_wait3A_58] : memref<2560x2x128xi32, #tpu.memory_space<hbm>> -> memref<1x2x128xi32, #tpu.memory_space<hbm>>
        %dma_wait3A_60 = tpu.memref_squeeze %dma_wait3A_59 : memref<1x2x128xi32, #tpu.memory_space<hbm>> -> memref<2x128xi32, #tpu.memory_space<hbm>>
        %dma_wait3A_61 = arith.constant 0 : i32
        %dma_wait3A_62 = arith.constant 0 : i32
        %dma_wait3A_63 = tpu.memref_slice %arg2[%add3A_19, %dma_wait3A_61, %dma_wait3A_62] : memref<2560x2x128xi32, #tpu.memory_space<hbm>> -> memref<1x2x128xi32, #tpu.memory_space<hbm>>
        %dma_wait3A_64 = tpu.memref_squeeze %dma_wait3A_63 : memref<1x2x128xi32, #tpu.memory_space<hbm>> -> memref<2x128xi32, #tpu.memory_space<hbm>>
        tpu.wait_dma2 semaphore(%run_scoped3A : memref<!tpu.dma_semaphore, #tpu.memory_space<semaphore_mem>>) src(%dma_wait3A_64 : memref<2x128xi32, #tpu.memory_space<hbm>>) dst(%arg6 : memref<2x128xi32, #tpu.memory_space<vmem>>)
        tpu.yield
      }) : () -> ()
      %add3A_20 = arith.constant 1 : i32
      %add3A_21 = arith.addi %add3A_19, %add3A_20 : i32
      "tpu.region"() ({
        %run_scoped3A = tpu.sem_alloc : memref<!tpu.dma_semaphore, #tpu.memory_space<semaphore_mem>>
        %dma_start3A_49 = arith.constant 0 : i32
        %dma_start3A_50 = arith.constant 0 : i32
        %dma_start3A_51 = tpu.memref_slice %arg2[%add3A_21, %dma_start3A_49, %dma_start3A_50] : memref<2560x2x128xi32, #tpu.memory_space<hbm>> -> memref<1x2x128xi32, #tpu.memory_space<hbm>>
        %dma_start3A_52 = tpu.memref_squeeze %dma_start3A_51 : memref<1x2x128xi32, #tpu.memory_space<hbm>> -> memref<2x128xi32, #tpu.memory_space<hbm>>
        %dma_start3A_53 = arith.constant 0 : i32
        %dma_start3A_54 = arith.constant 0 : i32
        %dma_start3A_55 = tpu.memref_slice %arg2[%add3A_21, %dma_start3A_53, %dma_start3A_54] : memref<2560x2x128xi32, #tpu.memory_space<hbm>> -> memref<1x2x128xi32, #tpu.memory_space<hbm>>
        %dma_start3A_56 = tpu.memref_squeeze %dma_start3A_55 : memref<1x2x128xi32, #tpu.memory_space<hbm>> -> memref<2x128xi32, #tpu.memory_space<hbm>>
        tpu.enqueue_dma source(%dma_start3A_56 : memref<2x128xi32, #tpu.memory_space<hbm>>) target(%arg7 : memref<2x128xi32, #tpu.memory_space<vmem>>) target_semaphore(%run_scoped3A : memref<!tpu.dma_semaphore, #tpu.memory_space<semaphore_mem>>)
        %dma_wait3A_57 = arith.constant 0 : i32
        %dma_wait3A_58 = arith.constant 0 : i32
        %dma_wait3A_59 = tpu.memref_slice %arg2[%add3A_21, %dma_wait3A_57, %dma_wait3A_58] : memref<2560x2x128xi32, #tpu.memory_space<hbm>> -> memref<1x2x128xi32, #tpu.memory_space<hbm>>
        %dma_wait3A_60 = tpu.memref_squeeze %dma_wait3A_59 : memref<1x2x128xi32, #tpu.memory_space<hbm>> -> memref<2x128xi32, #tpu.memory_space<hbm>>
        %dma_wait3A_61 = arith.constant 0 : i32
        %dma_wait3A_62 = arith.constant 0 : i32
        %dma_wait3A_63 = tpu.memref_slice %arg2[%add3A_21, %dma_wait3A_61, %dma_wait3A_62] : memref<2560x2x128xi32, #tpu.memory_space<hbm>> -> memref<1x2x128xi32, #tpu.memory_space<hbm>>
        %dma_wait3A_64 = tpu.memref_squeeze %dma_wait3A_63 : memref<1x2x128xi32, #tpu.memory_space<hbm>> -> memref<2x128xi32, #tpu.memory_space<hbm>>
        tpu.wait_dma2 semaphore(%run_scoped3A : memref<!tpu.dma_semaphore, #tpu.memory_space<semaphore_mem>>) src(%dma_wait3A_64 : memref<2x128xi32, #tpu.memory_space<hbm>>) dst(%arg7 : memref<2x128xi32, #tpu.memory_space<vmem>>)
        tpu.yield
      }) : () -> ()
      %dma_start3A = arith.constant 1 : i32
      %dma_start3A_22 = arith.constant 0 : i32
      %dma_start3A_23 = tpu.memref_slice %arg6[%dma_start3A, %dma_start3A_22] : memref<2x128xi32, #tpu.memory_space<vmem>> -> memref<1x128xi32, #tpu.memory_space<vmem>>
      %dma_start3A_24 = tpu.memref_squeeze %dma_start3A_23 : memref<1x128xi32, #tpu.memory_space<vmem>> -> memref<128xi32, #tpu.memory_space<vmem>>
      %dma_start3A_25 = arith.constant 0 : i32
      %dma_start3A_26 = arith.constant 0 : i32
      %dma_start3A_27 = tpu.memref_slice %arg9[%dma_start3A_25, %dma_start3A_26] : memref<10112x128xf32, #tpu.memory_space<vmem_shared>> -> memref<10112x128xf32, #tpu.memory_space<vmem_shared>>
      tpu.enqueue_indirect_dma source(%arg8 : memref<128x128xf32, #tpu.memory_space<vmem>>) target(%dma_start3A_27 : memref<10112x128xf32, #tpu.memory_space<vmem_shared>>) offsets(%dma_start3A_24 : memref<128xi32, #tpu.memory_space<vmem>>) semaphore(%arg10 : memref<!tpu.dma_semaphore, #tpu.memory_space<semaphore_mem>>) {add = true}
      %dma_start3A_28 = arith.constant 1 : i32
      %dma_start3A_29 = arith.constant 0 : i32
      %dma_start3A_30 = tpu.memref_slice %arg7[%dma_start3A_28, %dma_start3A_29] : memref<2x128xi32, #tpu.memory_space<vmem>> -> memref<1x128xi32, #tpu.memory_space<vmem>>
      %dma_start3A_31 = tpu.memref_squeeze %dma_start3A_30 : memref<1x128xi32, #tpu.memory_space<vmem>> -> memref<128xi32, #tpu.memory_space<vmem>>
      %dma_start3A_32 = arith.constant 0 : i32
      %dma_start3A_33 = arith.constant 0 : i32
      %dma_start3A_34 = tpu.memref_slice %arg9[%dma_start3A_32, %dma_start3A_33] : memref<10112x128xf32, #tpu.memory_space<vmem_shared>> -> memref<10112x128xf32, #tpu.memory_space<vmem_shared>>
      tpu.enqueue_indirect_dma source(%arg8 : memref<128x128xf32, #tpu.memory_space<vmem>>) target(%dma_start3A_34 : memref<10112x128xf32, #tpu.memory_space<vmem_shared>>) offsets(%dma_start3A_31 : memref<128xi32, #tpu.memory_space<vmem>>) semaphore(%arg10 : memref<!tpu.dma_semaphore, #tpu.memory_space<semaphore_mem>>) {add = true}
      %dma_wait3A = arith.constant 1 : i32
      %dma_wait3A_35 = arith.constant 0 : i32
      %dma_wait3A_36 = tpu.memref_slice %arg6[%dma_wait3A, %dma_wait3A_35] : memref<2x128xi32, #tpu.memory_space<vmem>> -> memref<1x128xi32, #tpu.memory_space<vmem>>
      %dma_wait3A_37 = tpu.memref_squeeze %dma_wait3A_36 : memref<1x128xi32, #tpu.memory_space<vmem>> -> memref<128xi32, #tpu.memory_space<vmem>>
      %dma_wait3A_38 = arith.constant 0 : i32
      %dma_wait3A_39 = arith.constant 0 : i32
      %dma_wait3A_40 = tpu.memref_slice %arg9[%dma_wait3A_38, %dma_wait3A_39] : memref<10112x128xf32, #tpu.memory_space<vmem_shared>> -> memref<10112x128xf32, #tpu.memory_space<vmem_shared>>
      tpu.wait_indirect_dma semaphore(%arg10 : memref<!tpu.dma_semaphore, #tpu.memory_space<semaphore_mem>>) src(%arg8 : memref<128x128xf32, #tpu.memory_space<vmem>>) dst(%dma_wait3A_40 : memref<10112x128xf32, #tpu.memory_space<vmem_shared>>)
      %dma_wait3A_41 = arith.constant 1 : i32
      %dma_wait3A_42 = arith.constant 0 : i32
      %dma_wait3A_43 = tpu.memref_slice %arg7[%dma_wait3A_41, %dma_wait3A_42] : memref<2x128xi32, #tpu.memory_space<vmem>> -> memref<1x128xi32, #tpu.memory_space<vmem>>
      %dma_wait3A_44 = tpu.memref_squeeze %dma_wait3A_43 : memref<1x128xi32, #tpu.memory_space<vmem>> -> memref<128xi32, #tpu.memory_space<vmem>>
      %dma_wait3A_45 = arith.constant 0 : i32
      %dma_wait3A_46 = arith.constant 0 : i32
      %dma_wait3A_47 = tpu.memref_slice %arg9[%dma_wait3A_45, %dma_wait3A_46] : memref<10112x128xf32, #tpu.memory_space<vmem_shared>> -> memref<10112x128xf32, #tpu.memory_space<vmem_shared>>
      tpu.wait_indirect_dma semaphore(%arg10 : memref<!tpu.dma_semaphore, #tpu.memory_space<semaphore_mem>>) src(%arg8 : memref<128x128xf32, #tpu.memory_space<vmem>>) dst(%dma_wait3A_47 : memref<10112x128xf32, #tpu.memory_space<vmem_shared>>)
      %scan3A_48 = arith.constant 0 : i32
      scf.yield %scan3A_48 : i32
    }
    %scan3A_13 = arith.constant 40 : i32
    %barrier3A_14 = arith.constant 0 : index
    tpu.barrier barrier_id(%barrier3A_14)
    "tpu.region"() ({
      %run_scoped3A = tpu.sem_alloc : memref<!tpu.dma_semaphore, #tpu.memory_space<semaphore_mem>>
      %dma_start3A = arith.constant 0 : i32
      %dma_start3A_15 = tpu.memref_slice %arg5[%add3A, %dma_start3A] : memref<20224x128xf32, #tpu.memory_space<hbm>> -> memref<632x128xf32, #tpu.memory_space<hbm>>
      %dma_start3A_16 = arith.constant 0 : i32
      %dma_start3A_17 = tpu.memref_slice %arg9[%mul3A_0, %dma_start3A_16] : memref<10112x128xf32, #tpu.memory_space<vmem_shared>> -> memref<632x128xf32, #tpu.memory_space<vmem_shared>>
      tpu.enqueue_dma source(%dma_start3A_17 : memref<632x128xf32, #tpu.memory_space<vmem_shared>>) target(%dma_start3A_15 : memref<632x128xf32, #tpu.memory_space<hbm>>) target_semaphore(%run_scoped3A : memref<!tpu.dma_semaphore, #tpu.memory_space<semaphore_mem>>)
      %dma_wait3A = arith.constant 0 : i32
      %dma_wait3A_18 = tpu.memref_slice %arg5[%add3A, %dma_wait3A] : memref<20224x128xf32, #tpu.memory_space<hbm>> -> memref<632x128xf32, #tpu.memory_space<hbm>>
      %dma_wait3A_19 = arith.constant 0 : i32
      %dma_wait3A_20 = tpu.memref_slice %arg9[%mul3A_0, %dma_wait3A_19] : memref<10112x128xf32, #tpu.memory_space<vmem_shared>> -> memref<632x128xf32, #tpu.memory_space<vmem_shared>>
      tpu.wait_dma2 semaphore(%run_scoped3A : memref<!tpu.dma_semaphore, #tpu.memory_space<semaphore_mem>>) src(%dma_wait3A_20 : memref<632x128xf32, #tpu.memory_space<vmem_shared>>) dst(%dma_wait3A_18 : memref<632x128xf32, #tpu.memory_space<hbm>>)
      tpu.yield
    }) : () -> ()
    return
  }
}

#map = affine_map<(d0, d1) -> (0, 0)>
#map1 = affine_map<(d0, d1) -> (0, 0, 0)>
module attributes {stable_mosaic.version = 14 : i64} {
  func.func @_sc_agg_body(%arg0: i32, %arg1: i32, %arg2: memref<10000x128xf32, #tpu.memory_space<hbm>>, %arg3: memref<2560x2x128xi32, #tpu.memory_space<hbm>>, %arg4: memref<632x128xf32, #tpu.memory_space<hbm>>, %arg5: memref<20224x128xf32, #tpu.memory_space<hbm>>, %arg6: memref<2x128xi32, #tpu.memory_space<vmem>>, %arg7: memref<2x128xi32, #tpu.memory_space<vmem>>, %arg8: memref<128x128xf32, #tpu.memory_space<vmem>>, %arg9: memref<128x128xf32, #tpu.memory_space<vmem>>, %arg10: memref<10112x128xf32, #tpu.memory_space<vmem_shared>>, %arg11: memref<!tpu.dma_semaphore, #tpu.memory_space<semaphore_mem>>, %arg12: memref<!tpu.dma_semaphore, #tpu.memory_space<semaphore_mem>>, %arg13: memref<!tpu.dma_semaphore, #tpu.memory_space<semaphore_mem>>) attributes {dimension_semantics = [#tpu.dimension_semantics<core_parallel>, #tpu.dimension_semantics<subcore_parallel>], iteration_bounds = array<i64: 2, 16>, scalar_prefetch = 0 : i64, scratch_operands = 8 : i64, tpu.core_type = #tpu.core_type<sc_vector_subcore>, window_params = [{transform_indices = #map}, {transform_indices = #map1}, {transform_indices = #map}, {transform_indices = #map}]} {
    %mul3A = arith.constant 632 : i32
    %mul3A_0 = arith.muli %arg1, %mul3A : i32
    %mul3A_1 = arith.constant 10112 : i32
    %mul3A_2 = arith.muli %arg0, %mul3A_1 : i32
    %add3A = arith.addi %mul3A_2, %mul3A_0 : i32
    "tpu.region"() ({
      %run_scoped3A = tpu.sem_alloc : memref<!tpu.dma_semaphore, #tpu.memory_space<semaphore_mem>>
      %dma_start3A = arith.constant 0 : i32
      %dma_start3A_15 = tpu.memref_slice %arg10[%mul3A_0, %dma_start3A] : memref<10112x128xf32, #tpu.memory_space<vmem_shared>> -> memref<632x128xf32, #tpu.memory_space<vmem_shared>>
      tpu.enqueue_dma source(%arg4 : memref<632x128xf32, #tpu.memory_space<hbm>>) target(%dma_start3A_15 : memref<632x128xf32, #tpu.memory_space<vmem_shared>>) target_semaphore(%run_scoped3A : memref<!tpu.dma_semaphore, #tpu.memory_space<semaphore_mem>>)
      %dma_wait3A = arith.constant 0 : i32
      %dma_wait3A_16 = tpu.memref_slice %arg10[%mul3A_0, %dma_wait3A] : memref<10112x128xf32, #tpu.memory_space<vmem_shared>> -> memref<632x128xf32, #tpu.memory_space<vmem_shared>>
      tpu.wait_dma2 semaphore(%run_scoped3A : memref<!tpu.dma_semaphore, #tpu.memory_space<semaphore_mem>>) src(%arg4 : memref<632x128xf32, #tpu.memory_space<hbm>>) dst(%dma_wait3A_16 : memref<632x128xf32, #tpu.memory_space<vmem_shared>>)
      tpu.yield
    }) : () -> ()
    %barrier3A = arith.constant 0 : index
    tpu.barrier barrier_id(%barrier3A)
    %mul3A_3 = arith.constant 16 : i32
    %mul3A_4 = arith.muli %arg0, %mul3A_3 : i32
    %add3A_5 = arith.addi %mul3A_4, %arg1 : i32
    %mul3A_6 = arith.constant 80 : i32
    %mul3A_7 = arith.muli %add3A_5, %mul3A_6 : i32
    %scan3A = arith.constant 0 : i32
    %scan3A_8 = arith.constant 0 : i32
    %scan3A_9 = arith.constant 40 : i32
    %scan3A_10 = arith.addi %scan3A_8, %scan3A_9 : i32
    %scan3A_11 = arith.constant 1 : i32
    %scan3A_12 = scf.for %scan3A_15 = %scan3A_8 to %scan3A_10 step %scan3A_11 iter_args(%scan3A_16 = %scan3A) -> (i32)  : i32 {
      %mul3A_17 = arith.constant 2 : i32
      %mul3A_18 = arith.muli %mul3A_17, %scan3A_15 : i32
      %add3A_19 = arith.addi %mul3A_7, %mul3A_18 : i32
      "tpu.region"() ({
        %run_scoped3A = tpu.sem_alloc : memref<!tpu.dma_semaphore, #tpu.memory_space<semaphore_mem>>
        %dma_start3A_77 = arith.constant 0 : i32
        %dma_start3A_78 = arith.constant 0 : i32
        %dma_start3A_79 = tpu.memref_slice %arg3[%add3A_19, %dma_start3A_77, %dma_start3A_78] : memref<2560x2x128xi32, #tpu.memory_space<hbm>> -> memref<1x2x128xi32, #tpu.memory_space<hbm>>
        %dma_start3A_80 = tpu.memref_squeeze %dma_start3A_79 : memref<1x2x128xi32, #tpu.memory_space<hbm>> -> memref<2x128xi32, #tpu.memory_space<hbm>>
        %dma_start3A_81 = arith.constant 0 : i32
        %dma_start3A_82 = arith.constant 0 : i32
        %dma_start3A_83 = tpu.memref_slice %arg3[%add3A_19, %dma_start3A_81, %dma_start3A_82] : memref<2560x2x128xi32, #tpu.memory_space<hbm>> -> memref<1x2x128xi32, #tpu.memory_space<hbm>>
        %dma_start3A_84 = tpu.memref_squeeze %dma_start3A_83 : memref<1x2x128xi32, #tpu.memory_space<hbm>> -> memref<2x128xi32, #tpu.memory_space<hbm>>
        tpu.enqueue_dma source(%dma_start3A_84 : memref<2x128xi32, #tpu.memory_space<hbm>>) target(%arg6 : memref<2x128xi32, #tpu.memory_space<vmem>>) target_semaphore(%run_scoped3A : memref<!tpu.dma_semaphore, #tpu.memory_space<semaphore_mem>>)
        %dma_wait3A_85 = arith.constant 0 : i32
        %dma_wait3A_86 = arith.constant 0 : i32
        %dma_wait3A_87 = tpu.memref_slice %arg3[%add3A_19, %dma_wait3A_85, %dma_wait3A_86] : memref<2560x2x128xi32, #tpu.memory_space<hbm>> -> memref<1x2x128xi32, #tpu.memory_space<hbm>>
        %dma_wait3A_88 = tpu.memref_squeeze %dma_wait3A_87 : memref<1x2x128xi32, #tpu.memory_space<hbm>> -> memref<2x128xi32, #tpu.memory_space<hbm>>
        %dma_wait3A_89 = arith.constant 0 : i32
        %dma_wait3A_90 = arith.constant 0 : i32
        %dma_wait3A_91 = tpu.memref_slice %arg3[%add3A_19, %dma_wait3A_89, %dma_wait3A_90] : memref<2560x2x128xi32, #tpu.memory_space<hbm>> -> memref<1x2x128xi32, #tpu.memory_space<hbm>>
        %dma_wait3A_92 = tpu.memref_squeeze %dma_wait3A_91 : memref<1x2x128xi32, #tpu.memory_space<hbm>> -> memref<2x128xi32, #tpu.memory_space<hbm>>
        tpu.wait_dma2 semaphore(%run_scoped3A : memref<!tpu.dma_semaphore, #tpu.memory_space<semaphore_mem>>) src(%dma_wait3A_92 : memref<2x128xi32, #tpu.memory_space<hbm>>) dst(%arg6 : memref<2x128xi32, #tpu.memory_space<vmem>>)
        tpu.yield
      }) : () -> ()
      %add3A_20 = arith.constant 1 : i32
      %add3A_21 = arith.addi %add3A_19, %add3A_20 : i32
      "tpu.region"() ({
        %run_scoped3A = tpu.sem_alloc : memref<!tpu.dma_semaphore, #tpu.memory_space<semaphore_mem>>
        %dma_start3A_77 = arith.constant 0 : i32
        %dma_start3A_78 = arith.constant 0 : i32
        %dma_start3A_79 = tpu.memref_slice %arg3[%add3A_21, %dma_start3A_77, %dma_start3A_78] : memref<2560x2x128xi32, #tpu.memory_space<hbm>> -> memref<1x2x128xi32, #tpu.memory_space<hbm>>
        %dma_start3A_80 = tpu.memref_squeeze %dma_start3A_79 : memref<1x2x128xi32, #tpu.memory_space<hbm>> -> memref<2x128xi32, #tpu.memory_space<hbm>>
        %dma_start3A_81 = arith.constant 0 : i32
        %dma_start3A_82 = arith.constant 0 : i32
        %dma_start3A_83 = tpu.memref_slice %arg3[%add3A_21, %dma_start3A_81, %dma_start3A_82] : memref<2560x2x128xi32, #tpu.memory_space<hbm>> -> memref<1x2x128xi32, #tpu.memory_space<hbm>>
        %dma_start3A_84 = tpu.memref_squeeze %dma_start3A_83 : memref<1x2x128xi32, #tpu.memory_space<hbm>> -> memref<2x128xi32, #tpu.memory_space<hbm>>
        tpu.enqueue_dma source(%dma_start3A_84 : memref<2x128xi32, #tpu.memory_space<hbm>>) target(%arg7 : memref<2x128xi32, #tpu.memory_space<vmem>>) target_semaphore(%run_scoped3A : memref<!tpu.dma_semaphore, #tpu.memory_space<semaphore_mem>>)
        %dma_wait3A_85 = arith.constant 0 : i32
        %dma_wait3A_86 = arith.constant 0 : i32
        %dma_wait3A_87 = tpu.memref_slice %arg3[%add3A_21, %dma_wait3A_85, %dma_wait3A_86] : memref<2560x2x128xi32, #tpu.memory_space<hbm>> -> memref<1x2x128xi32, #tpu.memory_space<hbm>>
        %dma_wait3A_88 = tpu.memref_squeeze %dma_wait3A_87 : memref<1x2x128xi32, #tpu.memory_space<hbm>> -> memref<2x128xi32, #tpu.memory_space<hbm>>
        %dma_wait3A_89 = arith.constant 0 : i32
        %dma_wait3A_90 = arith.constant 0 : i32
        %dma_wait3A_91 = tpu.memref_slice %arg3[%add3A_21, %dma_wait3A_89, %dma_wait3A_90] : memref<2560x2x128xi32, #tpu.memory_space<hbm>> -> memref<1x2x128xi32, #tpu.memory_space<hbm>>
        %dma_wait3A_92 = tpu.memref_squeeze %dma_wait3A_91 : memref<1x2x128xi32, #tpu.memory_space<hbm>> -> memref<2x128xi32, #tpu.memory_space<hbm>>
        tpu.wait_dma2 semaphore(%run_scoped3A : memref<!tpu.dma_semaphore, #tpu.memory_space<semaphore_mem>>) src(%dma_wait3A_92 : memref<2x128xi32, #tpu.memory_space<hbm>>) dst(%arg7 : memref<2x128xi32, #tpu.memory_space<vmem>>)
        tpu.yield
      }) : () -> ()
      %dma_start3A = arith.constant 0 : i32
      %dma_start3A_22 = arith.constant 0 : i32
      %dma_start3A_23 = tpu.memref_slice %arg6[%dma_start3A, %dma_start3A_22] : memref<2x128xi32, #tpu.memory_space<vmem>> -> memref<1x128xi32, #tpu.memory_space<vmem>>
      %dma_start3A_24 = tpu.memref_squeeze %dma_start3A_23 : memref<1x128xi32, #tpu.memory_space<vmem>> -> memref<128xi32, #tpu.memory_space<vmem>>
      %dma_start3A_25 = arith.constant 0 : i32
      %dma_start3A_26 = arith.constant 0 : i32
      %dma_start3A_27 = tpu.memref_slice %arg2[%dma_start3A_25, %dma_start3A_26] : memref<10000x128xf32, #tpu.memory_space<hbm>> -> memref<10000x128xf32, #tpu.memory_space<hbm>>
      tpu.enqueue_indirect_dma source(%dma_start3A_27 : memref<10000x128xf32, #tpu.memory_space<hbm>>) target(%arg8 : memref<128x128xf32, #tpu.memory_space<vmem>>) offsets(%dma_start3A_24 : memref<128xi32, #tpu.memory_space<vmem>>) semaphore(%arg11 : memref<!tpu.dma_semaphore, #tpu.memory_space<semaphore_mem>>)
      %dma_start3A_28 = arith.constant 0 : i32
      %dma_start3A_29 = arith.constant 0 : i32
      %dma_start3A_30 = tpu.memref_slice %arg7[%dma_start3A_28, %dma_start3A_29] : memref<2x128xi32, #tpu.memory_space<vmem>> -> memref<1x128xi32, #tpu.memory_space<vmem>>
      %dma_start3A_31 = tpu.memref_squeeze %dma_start3A_30 : memref<1x128xi32, #tpu.memory_space<vmem>> -> memref<128xi32, #tpu.memory_space<vmem>>
      %dma_start3A_32 = arith.constant 0 : i32
      %dma_start3A_33 = arith.constant 0 : i32
      %dma_start3A_34 = tpu.memref_slice %arg2[%dma_start3A_32, %dma_start3A_33] : memref<10000x128xf32, #tpu.memory_space<hbm>> -> memref<10000x128xf32, #tpu.memory_space<hbm>>
      tpu.enqueue_indirect_dma source(%dma_start3A_34 : memref<10000x128xf32, #tpu.memory_space<hbm>>) target(%arg9 : memref<128x128xf32, #tpu.memory_space<vmem>>) offsets(%dma_start3A_31 : memref<128xi32, #tpu.memory_space<vmem>>) semaphore(%arg12 : memref<!tpu.dma_semaphore, #tpu.memory_space<semaphore_mem>>)
      %dma_wait3A = arith.constant 0 : i32
      %dma_wait3A_35 = arith.constant 0 : i32
      %dma_wait3A_36 = tpu.memref_slice %arg6[%dma_wait3A, %dma_wait3A_35] : memref<2x128xi32, #tpu.memory_space<vmem>> -> memref<1x128xi32, #tpu.memory_space<vmem>>
      %dma_wait3A_37 = tpu.memref_squeeze %dma_wait3A_36 : memref<1x128xi32, #tpu.memory_space<vmem>> -> memref<128xi32, #tpu.memory_space<vmem>>
      %dma_wait3A_38 = arith.constant 0 : i32
      %dma_wait3A_39 = arith.constant 0 : i32
      %dma_wait3A_40 = tpu.memref_slice %arg2[%dma_wait3A_38, %dma_wait3A_39] : memref<10000x128xf32, #tpu.memory_space<hbm>> -> memref<10000x128xf32, #tpu.memory_space<hbm>>
      tpu.wait_indirect_dma semaphore(%arg11 : memref<!tpu.dma_semaphore, #tpu.memory_space<semaphore_mem>>) src(%dma_wait3A_40 : memref<10000x128xf32, #tpu.memory_space<hbm>>) dst(%arg8 : memref<128x128xf32, #tpu.memory_space<vmem>>)
      %dma_start3A_41 = arith.constant 1 : i32
      %dma_start3A_42 = arith.constant 0 : i32
      %dma_start3A_43 = tpu.memref_slice %arg6[%dma_start3A_41, %dma_start3A_42] : memref<2x128xi32, #tpu.memory_space<vmem>> -> memref<1x128xi32, #tpu.memory_space<vmem>>
      %dma_start3A_44 = tpu.memref_squeeze %dma_start3A_43 : memref<1x128xi32, #tpu.memory_space<vmem>> -> memref<128xi32, #tpu.memory_space<vmem>>
      %dma_start3A_45 = arith.constant 0 : i32
      %dma_start3A_46 = arith.constant 0 : i32
      %dma_start3A_47 = tpu.memref_slice %arg10[%dma_start3A_45, %dma_start3A_46] : memref<10112x128xf32, #tpu.memory_space<vmem_shared>> -> memref<10112x128xf32, #tpu.memory_space<vmem_shared>>
      tpu.enqueue_indirect_dma source(%arg8 : memref<128x128xf32, #tpu.memory_space<vmem>>) target(%dma_start3A_47 : memref<10112x128xf32, #tpu.memory_space<vmem_shared>>) offsets(%dma_start3A_44 : memref<128xi32, #tpu.memory_space<vmem>>) semaphore(%arg13 : memref<!tpu.dma_semaphore, #tpu.memory_space<semaphore_mem>>) {add = true}
      %dma_wait3A_48 = arith.constant 0 : i32
      %dma_wait3A_49 = arith.constant 0 : i32
      %dma_wait3A_50 = tpu.memref_slice %arg7[%dma_wait3A_48, %dma_wait3A_49] : memref<2x128xi32, #tpu.memory_space<vmem>> -> memref<1x128xi32, #tpu.memory_space<vmem>>
      %dma_wait3A_51 = tpu.memref_squeeze %dma_wait3A_50 : memref<1x128xi32, #tpu.memory_space<vmem>> -> memref<128xi32, #tpu.memory_space<vmem>>
      %dma_wait3A_52 = arith.constant 0 : i32
      %dma_wait3A_53 = arith.constant 0 : i32
      %dma_wait3A_54 = tpu.memref_slice %arg2[%dma_wait3A_52, %dma_wait3A_53] : memref<10000x128xf32, #tpu.memory_space<hbm>> -> memref<10000x128xf32, #tpu.memory_space<hbm>>
      tpu.wait_indirect_dma semaphore(%arg12 : memref<!tpu.dma_semaphore, #tpu.memory_space<semaphore_mem>>) src(%dma_wait3A_54 : memref<10000x128xf32, #tpu.memory_space<hbm>>) dst(%arg9 : memref<128x128xf32, #tpu.memory_space<vmem>>)
      %dma_start3A_55 = arith.constant 1 : i32
      %dma_start3A_56 = arith.constant 0 : i32
      %dma_start3A_57 = tpu.memref_slice %arg7[%dma_start3A_55, %dma_start3A_56] : memref<2x128xi32, #tpu.memory_space<vmem>> -> memref<1x128xi32, #tpu.memory_space<vmem>>
      %dma_start3A_58 = tpu.memref_squeeze %dma_start3A_57 : memref<1x128xi32, #tpu.memory_space<vmem>> -> memref<128xi32, #tpu.memory_space<vmem>>
      %dma_start3A_59 = arith.constant 0 : i32
      %dma_start3A_60 = arith.constant 0 : i32
      %dma_start3A_61 = tpu.memref_slice %arg10[%dma_start3A_59, %dma_start3A_60] : memref<10112x128xf32, #tpu.memory_space<vmem_shared>> -> memref<10112x128xf32, #tpu.memory_space<vmem_shared>>
      tpu.enqueue_indirect_dma source(%arg9 : memref<128x128xf32, #tpu.memory_space<vmem>>) target(%dma_start3A_61 : memref<10112x128xf32, #tpu.memory_space<vmem_shared>>) offsets(%dma_start3A_58 : memref<128xi32, #tpu.memory_space<vmem>>) semaphore(%arg13 : memref<!tpu.dma_semaphore, #tpu.memory_space<semaphore_mem>>) {add = true}
      %dma_wait3A_62 = arith.constant 1 : i32
      %dma_wait3A_63 = arith.constant 0 : i32
      %dma_wait3A_64 = tpu.memref_slice %arg6[%dma_wait3A_62, %dma_wait3A_63] : memref<2x128xi32, #tpu.memory_space<vmem>> -> memref<1x128xi32, #tpu.memory_space<vmem>>
      %dma_wait3A_65 = tpu.memref_squeeze %dma_wait3A_64 : memref<1x128xi32, #tpu.memory_space<vmem>> -> memref<128xi32, #tpu.memory_space<vmem>>
      %dma_wait3A_66 = arith.constant 0 : i32
      %dma_wait3A_67 = arith.constant 0 : i32
      %dma_wait3A_68 = tpu.memref_slice %arg10[%dma_wait3A_66, %dma_wait3A_67] : memref<10112x128xf32, #tpu.memory_space<vmem_shared>> -> memref<10112x128xf32, #tpu.memory_space<vmem_shared>>
      tpu.wait_indirect_dma semaphore(%arg13 : memref<!tpu.dma_semaphore, #tpu.memory_space<semaphore_mem>>) src(%arg8 : memref<128x128xf32, #tpu.memory_space<vmem>>) dst(%dma_wait3A_68 : memref<10112x128xf32, #tpu.memory_space<vmem_shared>>)
      %dma_wait3A_69 = arith.constant 1 : i32
      %dma_wait3A_70 = arith.constant 0 : i32
      %dma_wait3A_71 = tpu.memref_slice %arg7[%dma_wait3A_69, %dma_wait3A_70] : memref<2x128xi32, #tpu.memory_space<vmem>> -> memref<1x128xi32, #tpu.memory_space<vmem>>
      %dma_wait3A_72 = tpu.memref_squeeze %dma_wait3A_71 : memref<1x128xi32, #tpu.memory_space<vmem>> -> memref<128xi32, #tpu.memory_space<vmem>>
      %dma_wait3A_73 = arith.constant 0 : i32
      %dma_wait3A_74 = arith.constant 0 : i32
      %dma_wait3A_75 = tpu.memref_slice %arg10[%dma_wait3A_73, %dma_wait3A_74] : memref<10112x128xf32, #tpu.memory_space<vmem_shared>> -> memref<10112x128xf32, #tpu.memory_space<vmem_shared>>
      tpu.wait_indirect_dma semaphore(%arg13 : memref<!tpu.dma_semaphore, #tpu.memory_space<semaphore_mem>>) src(%arg9 : memref<128x128xf32, #tpu.memory_space<vmem>>) dst(%dma_wait3A_75 : memref<10112x128xf32, #tpu.memory_space<vmem_shared>>)
      %scan3A_76 = arith.constant 0 : i32
      scf.yield %scan3A_76 : i32
    }
    %scan3A_13 = arith.constant 40 : i32
    %barrier3A_14 = arith.constant 0 : index
    tpu.barrier barrier_id(%barrier3A_14)
    "tpu.region"() ({
      %run_scoped3A = tpu.sem_alloc : memref<!tpu.dma_semaphore, #tpu.memory_space<semaphore_mem>>
      %dma_start3A = arith.constant 0 : i32
      %dma_start3A_15 = tpu.memref_slice %arg5[%add3A, %dma_start3A] : memref<20224x128xf32, #tpu.memory_space<hbm>> -> memref<632x128xf32, #tpu.memory_space<hbm>>
      %dma_start3A_16 = arith.constant 0 : i32
      %dma_start3A_17 = tpu.memref_slice %arg10[%mul3A_0, %dma_start3A_16] : memref<10112x128xf32, #tpu.memory_space<vmem_shared>> -> memref<632x128xf32, #tpu.memory_space<vmem_shared>>
      tpu.enqueue_dma source(%dma_start3A_17 : memref<632x128xf32, #tpu.memory_space<vmem_shared>>) target(%dma_start3A_15 : memref<632x128xf32, #tpu.memory_space<hbm>>) target_semaphore(%run_scoped3A : memref<!tpu.dma_semaphore, #tpu.memory_space<semaphore_mem>>)
      %dma_wait3A = arith.constant 0 : i32
      %dma_wait3A_18 = tpu.memref_slice %arg5[%add3A, %dma_wait3A] : memref<20224x128xf32, #tpu.memory_space<hbm>> -> memref<632x128xf32, #tpu.memory_space<hbm>>
      %dma_wait3A_19 = arith.constant 0 : i32
      %dma_wait3A_20 = tpu.memref_slice %arg10[%mul3A_0, %dma_wait3A_19] : memref<10112x128xf32, #tpu.memory_space<vmem_shared>> -> memref<632x128xf32, #tpu.memory_space<vmem_shared>>
      tpu.wait_dma2 semaphore(%run_scoped3A : memref<!tpu.dma_semaphore, #tpu.memory_space<semaphore_mem>>) src(%dma_wait3A_20 : memref<632x128xf32, #tpu.memory_space<vmem_shared>>) dst(%dma_wait3A_18 : memref<632x128xf32, #tpu.memory_space<hbm>>)
      tpu.yield
    }) : () -> ()
    return
  }
}

#map = affine_map<(d0, d1) -> (0, 0)>
#map1 = affine_map<(d0, d1) -> (0, 0, 0)>
module attributes {stable_mosaic.version = 14 : i64} {
  func.func @_sc_agg_body(%arg0: i32, %arg1: i32, %arg2: memref<10000x128xf32, #tpu.memory_space<hbm>>, %arg3: memref<2560x2x128xi32, #tpu.memory_space<hbm>>, %arg4: memref<632x128xf32, #tpu.memory_space<hbm>>, %arg5: memref<20224x128xf32, #tpu.memory_space<hbm>>, %arg6: memref<2x128xi32, #tpu.memory_space<vmem>>, %arg7: memref<2x128xi32, #tpu.memory_space<vmem>>, %arg8: memref<128x128xf32, #tpu.memory_space<vmem>>, %arg9: memref<128x128xf32, #tpu.memory_space<vmem>>, %arg10: memref<10112x128xf32, #tpu.memory_space<vmem_shared>>, %arg11: memref<!tpu.dma_semaphore, #tpu.memory_space<semaphore_mem>>, %arg12: memref<!tpu.dma_semaphore, #tpu.memory_space<semaphore_mem>>, %arg13: memref<!tpu.dma_semaphore, #tpu.memory_space<semaphore_mem>>) attributes {dimension_semantics = [#tpu.dimension_semantics<core_parallel>, #tpu.dimension_semantics<subcore_parallel>], iteration_bounds = array<i64: 2, 16>, scalar_prefetch = 0 : i64, scratch_operands = 8 : i64, tpu.core_type = #tpu.core_type<sc_vector_subcore>, window_params = [{transform_indices = #map}, {transform_indices = #map1}, {transform_indices = #map}, {transform_indices = #map}]} {
    %mul3A = arith.constant 632 : i32
    %mul3A_0 = arith.muli %arg1, %mul3A : i32
    %mul3A_1 = arith.constant 10112 : i32
    %mul3A_2 = arith.muli %arg0, %mul3A_1 : i32
    %add3A = arith.addi %mul3A_2, %mul3A_0 : i32
    "tpu.region"() ({
      %run_scoped3A = tpu.sem_alloc : memref<!tpu.dma_semaphore, #tpu.memory_space<semaphore_mem>>
      %dma_start3A = arith.constant 0 : i32
      %dma_start3A_15 = tpu.memref_slice %arg10[%mul3A_0, %dma_start3A] : memref<10112x128xf32, #tpu.memory_space<vmem_shared>> -> memref<632x128xf32, #tpu.memory_space<vmem_shared>>
      tpu.enqueue_dma source(%arg4 : memref<632x128xf32, #tpu.memory_space<hbm>>) target(%dma_start3A_15 : memref<632x128xf32, #tpu.memory_space<vmem_shared>>) target_semaphore(%run_scoped3A : memref<!tpu.dma_semaphore, #tpu.memory_space<semaphore_mem>>)
      %dma_wait3A = arith.constant 0 : i32
      %dma_wait3A_16 = tpu.memref_slice %arg10[%mul3A_0, %dma_wait3A] : memref<10112x128xf32, #tpu.memory_space<vmem_shared>> -> memref<632x128xf32, #tpu.memory_space<vmem_shared>>
      tpu.wait_dma2 semaphore(%run_scoped3A : memref<!tpu.dma_semaphore, #tpu.memory_space<semaphore_mem>>) src(%arg4 : memref<632x128xf32, #tpu.memory_space<hbm>>) dst(%dma_wait3A_16 : memref<632x128xf32, #tpu.memory_space<vmem_shared>>)
      tpu.yield
    }) : () -> ()
    %barrier3A = arith.constant 0 : index
    tpu.barrier barrier_id(%barrier3A)
    %mul3A_3 = arith.constant 16 : i32
    %mul3A_4 = arith.muli %arg0, %mul3A_3 : i32
    %add3A_5 = arith.addi %mul3A_4, %arg1 : i32
    %mul3A_6 = arith.constant 80 : i32
    %mul3A_7 = arith.muli %add3A_5, %mul3A_6 : i32
    %scan3A = arith.constant 0 : i32
    %scan3A_8 = arith.constant 0 : i32
    %scan3A_9 = arith.constant 40 : i32
    %scan3A_10 = arith.addi %scan3A_8, %scan3A_9 : i32
    %scan3A_11 = arith.constant 1 : i32
    %scan3A_12 = scf.for %scan3A_15 = %scan3A_8 to %scan3A_10 step %scan3A_11 iter_args(%scan3A_16 = %scan3A) -> (i32)  : i32 {
      %mul3A_17 = arith.constant 2 : i32
      %mul3A_18 = arith.muli %mul3A_17, %scan3A_15 : i32
      %add3A_19 = arith.addi %mul3A_7, %mul3A_18 : i32
      "tpu.region"() ({
        %run_scoped3A = tpu.sem_alloc : memref<!tpu.dma_semaphore, #tpu.memory_space<semaphore_mem>>
        %dma_start3A_77 = arith.constant 0 : i32
        %dma_start3A_78 = arith.constant 0 : i32
        %dma_start3A_79 = tpu.memref_slice %arg3[%add3A_19, %dma_start3A_77, %dma_start3A_78] : memref<2560x2x128xi32, #tpu.memory_space<hbm>> -> memref<1x2x128xi32, #tpu.memory_space<hbm>>
        %dma_start3A_80 = tpu.memref_squeeze %dma_start3A_79 : memref<1x2x128xi32, #tpu.memory_space<hbm>> -> memref<2x128xi32, #tpu.memory_space<hbm>>
        %dma_start3A_81 = arith.constant 0 : i32
        %dma_start3A_82 = arith.constant 0 : i32
        %dma_start3A_83 = tpu.memref_slice %arg3[%add3A_19, %dma_start3A_81, %dma_start3A_82] : memref<2560x2x128xi32, #tpu.memory_space<hbm>> -> memref<1x2x128xi32, #tpu.memory_space<hbm>>
        %dma_start3A_84 = tpu.memref_squeeze %dma_start3A_83 : memref<1x2x128xi32, #tpu.memory_space<hbm>> -> memref<2x128xi32, #tpu.memory_space<hbm>>
        tpu.enqueue_dma source(%dma_start3A_84 : memref<2x128xi32, #tpu.memory_space<hbm>>) target(%arg6 : memref<2x128xi32, #tpu.memory_space<vmem>>) target_semaphore(%run_scoped3A : memref<!tpu.dma_semaphore, #tpu.memory_space<semaphore_mem>>)
        %dma_wait3A_85 = arith.constant 0 : i32
        %dma_wait3A_86 = arith.constant 0 : i32
        %dma_wait3A_87 = tpu.memref_slice %arg3[%add3A_19, %dma_wait3A_85, %dma_wait3A_86] : memref<2560x2x128xi32, #tpu.memory_space<hbm>> -> memref<1x2x128xi32, #tpu.memory_space<hbm>>
        %dma_wait3A_88 = tpu.memref_squeeze %dma_wait3A_87 : memref<1x2x128xi32, #tpu.memory_space<hbm>> -> memref<2x128xi32, #tpu.memory_space<hbm>>
        %dma_wait3A_89 = arith.constant 0 : i32
        %dma_wait3A_90 = arith.constant 0 : i32
        %dma_wait3A_91 = tpu.memref_slice %arg3[%add3A_19, %dma_wait3A_89, %dma_wait3A_90] : memref<2560x2x128xi32, #tpu.memory_space<hbm>> -> memref<1x2x128xi32, #tpu.memory_space<hbm>>
        %dma_wait3A_92 = tpu.memref_squeeze %dma_wait3A_91 : memref<1x2x128xi32, #tpu.memory_space<hbm>> -> memref<2x128xi32, #tpu.memory_space<hbm>>
        tpu.wait_dma2 semaphore(%run_scoped3A : memref<!tpu.dma_semaphore, #tpu.memory_space<semaphore_mem>>) src(%dma_wait3A_92 : memref<2x128xi32, #tpu.memory_space<hbm>>) dst(%arg6 : memref<2x128xi32, #tpu.memory_space<vmem>>)
        tpu.yield
      }) : () -> ()
      %add3A_20 = arith.constant 1 : i32
      %add3A_21 = arith.addi %add3A_19, %add3A_20 : i32
      "tpu.region"() ({
        %run_scoped3A = tpu.sem_alloc : memref<!tpu.dma_semaphore, #tpu.memory_space<semaphore_mem>>
        %dma_start3A_77 = arith.constant 0 : i32
        %dma_start3A_78 = arith.constant 0 : i32
        %dma_start3A_79 = tpu.memref_slice %arg3[%add3A_21, %dma_start3A_77, %dma_start3A_78] : memref<2560x2x128xi32, #tpu.memory_space<hbm>> -> memref<1x2x128xi32, #tpu.memory_space<hbm>>
        %dma_start3A_80 = tpu.memref_squeeze %dma_start3A_79 : memref<1x2x128xi32, #tpu.memory_space<hbm>> -> memref<2x128xi32, #tpu.memory_space<hbm>>
        %dma_start3A_81 = arith.constant 0 : i32
        %dma_start3A_82 = arith.constant 0 : i32
        %dma_start3A_83 = tpu.memref_slice %arg3[%add3A_21, %dma_start3A_81, %dma_start3A_82] : memref<2560x2x128xi32, #tpu.memory_space<hbm>> -> memref<1x2x128xi32, #tpu.memory_space<hbm>>
        %dma_start3A_84 = tpu.memref_squeeze %dma_start3A_83 : memref<1x2x128xi32, #tpu.memory_space<hbm>> -> memref<2x128xi32, #tpu.memory_space<hbm>>
        tpu.enqueue_dma source(%dma_start3A_84 : memref<2x128xi32, #tpu.memory_space<hbm>>) target(%arg7 : memref<2x128xi32, #tpu.memory_space<vmem>>) target_semaphore(%run_scoped3A : memref<!tpu.dma_semaphore, #tpu.memory_space<semaphore_mem>>)
        %dma_wait3A_85 = arith.constant 0 : i32
        %dma_wait3A_86 = arith.constant 0 : i32
        %dma_wait3A_87 = tpu.memref_slice %arg3[%add3A_21, %dma_wait3A_85, %dma_wait3A_86] : memref<2560x2x128xi32, #tpu.memory_space<hbm>> -> memref<1x2x128xi32, #tpu.memory_space<hbm>>
        %dma_wait3A_88 = tpu.memref_squeeze %dma_wait3A_87 : memref<1x2x128xi32, #tpu.memory_space<hbm>> -> memref<2x128xi32, #tpu.memory_space<hbm>>
        %dma_wait3A_89 = arith.constant 0 : i32
        %dma_wait3A_90 = arith.constant 0 : i32
        %dma_wait3A_91 = tpu.memref_slice %arg3[%add3A_21, %dma_wait3A_89, %dma_wait3A_90] : memref<2560x2x128xi32, #tpu.memory_space<hbm>> -> memref<1x2x128xi32, #tpu.memory_space<hbm>>
        %dma_wait3A_92 = tpu.memref_squeeze %dma_wait3A_91 : memref<1x2x128xi32, #tpu.memory_space<hbm>> -> memref<2x128xi32, #tpu.memory_space<hbm>>
        tpu.wait_dma2 semaphore(%run_scoped3A : memref<!tpu.dma_semaphore, #tpu.memory_space<semaphore_mem>>) src(%dma_wait3A_92 : memref<2x128xi32, #tpu.memory_space<hbm>>) dst(%arg7 : memref<2x128xi32, #tpu.memory_space<vmem>>)
        tpu.yield
      }) : () -> ()
      %dma_start3A = arith.constant 0 : i32
      %dma_start3A_22 = arith.constant 0 : i32
      %dma_start3A_23 = tpu.memref_slice %arg6[%dma_start3A, %dma_start3A_22] : memref<2x128xi32, #tpu.memory_space<vmem>> -> memref<1x128xi32, #tpu.memory_space<vmem>>
      %dma_start3A_24 = tpu.memref_squeeze %dma_start3A_23 : memref<1x128xi32, #tpu.memory_space<vmem>> -> memref<128xi32, #tpu.memory_space<vmem>>
      %dma_start3A_25 = arith.constant 0 : i32
      %dma_start3A_26 = arith.constant 0 : i32
      %dma_start3A_27 = tpu.memref_slice %arg2[%dma_start3A_25, %dma_start3A_26] : memref<10000x128xf32, #tpu.memory_space<hbm>> -> memref<10000x128xf32, #tpu.memory_space<hbm>>
      tpu.enqueue_indirect_dma source(%dma_start3A_27 : memref<10000x128xf32, #tpu.memory_space<hbm>>) target(%arg8 : memref<128x128xf32, #tpu.memory_space<vmem>>) offsets(%dma_start3A_24 : memref<128xi32, #tpu.memory_space<vmem>>) semaphore(%arg11 : memref<!tpu.dma_semaphore, #tpu.memory_space<semaphore_mem>>)
      %dma_start3A_28 = arith.constant 0 : i32
      %dma_start3A_29 = arith.constant 0 : i32
      %dma_start3A_30 = tpu.memref_slice %arg7[%dma_start3A_28, %dma_start3A_29] : memref<2x128xi32, #tpu.memory_space<vmem>> -> memref<1x128xi32, #tpu.memory_space<vmem>>
      %dma_start3A_31 = tpu.memref_squeeze %dma_start3A_30 : memref<1x128xi32, #tpu.memory_space<vmem>> -> memref<128xi32, #tpu.memory_space<vmem>>
      %dma_start3A_32 = arith.constant 0 : i32
      %dma_start3A_33 = arith.constant 0 : i32
      %dma_start3A_34 = tpu.memref_slice %arg2[%dma_start3A_32, %dma_start3A_33] : memref<10000x128xf32, #tpu.memory_space<hbm>> -> memref<10000x128xf32, #tpu.memory_space<hbm>>
      tpu.enqueue_indirect_dma source(%dma_start3A_34 : memref<10000x128xf32, #tpu.memory_space<hbm>>) target(%arg9 : memref<128x128xf32, #tpu.memory_space<vmem>>) offsets(%dma_start3A_31 : memref<128xi32, #tpu.memory_space<vmem>>) semaphore(%arg12 : memref<!tpu.dma_semaphore, #tpu.memory_space<semaphore_mem>>)
      %dma_wait3A = arith.constant 0 : i32
      %dma_wait3A_35 = arith.constant 0 : i32
      %dma_wait3A_36 = tpu.memref_slice %arg6[%dma_wait3A, %dma_wait3A_35] : memref<2x128xi32, #tpu.memory_space<vmem>> -> memref<1x128xi32, #tpu.memory_space<vmem>>
      %dma_wait3A_37 = tpu.memref_squeeze %dma_wait3A_36 : memref<1x128xi32, #tpu.memory_space<vmem>> -> memref<128xi32, #tpu.memory_space<vmem>>
      %dma_wait3A_38 = arith.constant 0 : i32
      %dma_wait3A_39 = arith.constant 0 : i32
      %dma_wait3A_40 = tpu.memref_slice %arg2[%dma_wait3A_38, %dma_wait3A_39] : memref<10000x128xf32, #tpu.memory_space<hbm>> -> memref<10000x128xf32, #tpu.memory_space<hbm>>
      tpu.wait_indirect_dma semaphore(%arg11 : memref<!tpu.dma_semaphore, #tpu.memory_space<semaphore_mem>>) src(%dma_wait3A_40 : memref<10000x128xf32, #tpu.memory_space<hbm>>) dst(%arg8 : memref<128x128xf32, #tpu.memory_space<vmem>>)
      %dma_start3A_41 = arith.constant 1 : i32
      %dma_start3A_42 = arith.constant 0 : i32
      %dma_start3A_43 = tpu.memref_slice %arg6[%dma_start3A_41, %dma_start3A_42] : memref<2x128xi32, #tpu.memory_space<vmem>> -> memref<1x128xi32, #tpu.memory_space<vmem>>
      %dma_start3A_44 = tpu.memref_squeeze %dma_start3A_43 : memref<1x128xi32, #tpu.memory_space<vmem>> -> memref<128xi32, #tpu.memory_space<vmem>>
      %dma_start3A_45 = arith.constant 0 : i32
      %dma_start3A_46 = arith.constant 0 : i32
      %dma_start3A_47 = tpu.memref_slice %arg10[%dma_start3A_45, %dma_start3A_46] : memref<10112x128xf32, #tpu.memory_space<vmem_shared>> -> memref<10112x128xf32, #tpu.memory_space<vmem_shared>>
      tpu.enqueue_indirect_dma source(%arg8 : memref<128x128xf32, #tpu.memory_space<vmem>>) target(%dma_start3A_47 : memref<10112x128xf32, #tpu.memory_space<vmem_shared>>) offsets(%dma_start3A_44 : memref<128xi32, #tpu.memory_space<vmem>>) semaphore(%arg13 : memref<!tpu.dma_semaphore, #tpu.memory_space<semaphore_mem>>) {add = true}
      %dma_wait3A_48 = arith.constant 0 : i32
      %dma_wait3A_49 = arith.constant 0 : i32
      %dma_wait3A_50 = tpu.memref_slice %arg7[%dma_wait3A_48, %dma_wait3A_49] : memref<2x128xi32, #tpu.memory_space<vmem>> -> memref<1x128xi32, #tpu.memory_space<vmem>>
      %dma_wait3A_51 = tpu.memref_squeeze %dma_wait3A_50 : memref<1x128xi32, #tpu.memory_space<vmem>> -> memref<128xi32, #tpu.memory_space<vmem>>
      %dma_wait3A_52 = arith.constant 0 : i32
      %dma_wait3A_53 = arith.constant 0 : i32
      %dma_wait3A_54 = tpu.memref_slice %arg2[%dma_wait3A_52, %dma_wait3A_53] : memref<10000x128xf32, #tpu.memory_space<hbm>> -> memref<10000x128xf32, #tpu.memory_space<hbm>>
      tpu.wait_indirect_dma semaphore(%arg12 : memref<!tpu.dma_semaphore, #tpu.memory_space<semaphore_mem>>) src(%dma_wait3A_54 : memref<10000x128xf32, #tpu.memory_space<hbm>>) dst(%arg9 : memref<128x128xf32, #tpu.memory_space<vmem>>)
      %dma_start3A_55 = arith.constant 1 : i32
      %dma_start3A_56 = arith.constant 0 : i32
      %dma_start3A_57 = tpu.memref_slice %arg7[%dma_start3A_55, %dma_start3A_56] : memref<2x128xi32, #tpu.memory_space<vmem>> -> memref<1x128xi32, #tpu.memory_space<vmem>>
      %dma_start3A_58 = tpu.memref_squeeze %dma_start3A_57 : memref<1x128xi32, #tpu.memory_space<vmem>> -> memref<128xi32, #tpu.memory_space<vmem>>
      %dma_start3A_59 = arith.constant 0 : i32
      %dma_start3A_60 = arith.constant 0 : i32
      %dma_start3A_61 = tpu.memref_slice %arg10[%dma_start3A_59, %dma_start3A_60] : memref<10112x128xf32, #tpu.memory_space<vmem_shared>> -> memref<10112x128xf32, #tpu.memory_space<vmem_shared>>
      tpu.enqueue_indirect_dma source(%arg9 : memref<128x128xf32, #tpu.memory_space<vmem>>) target(%dma_start3A_61 : memref<10112x128xf32, #tpu.memory_space<vmem_shared>>) offsets(%dma_start3A_58 : memref<128xi32, #tpu.memory_space<vmem>>) semaphore(%arg13 : memref<!tpu.dma_semaphore, #tpu.memory_space<semaphore_mem>>) {add = true}
      %dma_wait3A_62 = arith.constant 1 : i32
      %dma_wait3A_63 = arith.constant 0 : i32
      %dma_wait3A_64 = tpu.memref_slice %arg6[%dma_wait3A_62, %dma_wait3A_63] : memref<2x128xi32, #tpu.memory_space<vmem>> -> memref<1x128xi32, #tpu.memory_space<vmem>>
      %dma_wait3A_65 = tpu.memref_squeeze %dma_wait3A_64 : memref<1x128xi32, #tpu.memory_space<vmem>> -> memref<128xi32, #tpu.memory_space<vmem>>
      %dma_wait3A_66 = arith.constant 0 : i32
      %dma_wait3A_67 = arith.constant 0 : i32
      %dma_wait3A_68 = tpu.memref_slice %arg10[%dma_wait3A_66, %dma_wait3A_67] : memref<10112x128xf32, #tpu.memory_space<vmem_shared>> -> memref<10112x128xf32, #tpu.memory_space<vmem_shared>>
      tpu.wait_indirect_dma semaphore(%arg13 : memref<!tpu.dma_semaphore, #tpu.memory_space<semaphore_mem>>) src(%arg8 : memref<128x128xf32, #tpu.memory_space<vmem>>) dst(%dma_wait3A_68 : memref<10112x128xf32, #tpu.memory_space<vmem_shared>>)
      %dma_wait3A_69 = arith.constant 1 : i32
      %dma_wait3A_70 = arith.constant 0 : i32
      %dma_wait3A_71 = tpu.memref_slice %arg7[%dma_wait3A_69, %dma_wait3A_70] : memref<2x128xi32, #tpu.memory_space<vmem>> -> memref<1x128xi32, #tpu.memory_space<vmem>>
      %dma_wait3A_72 = tpu.memref_squeeze %dma_wait3A_71 : memref<1x128xi32, #tpu.memory_space<vmem>> -> memref<128xi32, #tpu.memory_space<vmem>>
      %dma_wait3A_73 = arith.constant 0 : i32
      %dma_wait3A_74 = arith.constant 0 : i32
      %dma_wait3A_75 = tpu.memref_slice %arg10[%dma_wait3A_73, %dma_wait3A_74] : memref<10112x128xf32, #tpu.memory_space<vmem_shared>> -> memref<10112x128xf32, #tpu.memory_space<vmem_shared>>
      tpu.wait_indirect_dma semaphore(%arg13 : memref<!tpu.dma_semaphore, #tpu.memory_space<semaphore_mem>>) src(%arg9 : memref<128x128xf32, #tpu.memory_space<vmem>>) dst(%dma_wait3A_75 : memref<10112x128xf32, #tpu.memory_space<vmem_shared>>)
      %scan3A_76 = arith.constant 0 : i32
      scf.yield %scan3A_76 : i32
    }
    %scan3A_13 = arith.constant 40 : i32
    %barrier3A_14 = arith.constant 0 : index
    tpu.barrier barrier_id(%barrier3A_14)
    "tpu.region"() ({
      %run_scoped3A = tpu.sem_alloc : memref<!tpu.dma_semaphore, #tpu.memory_space<semaphore_mem>>
      %dma_start3A = arith.constant 0 : i32
      %dma_start3A_15 = tpu.memref_slice %arg5[%add3A, %dma_start3A] : memref<20224x128xf32, #tpu.memory_space<hbm>> -> memref<632x128xf32, #tpu.memory_space<hbm>>
      %dma_start3A_16 = arith.constant 0 : i32
      %dma_start3A_17 = tpu.memref_slice %arg10[%mul3A_0, %dma_start3A_16] : memref<10112x128xf32, #tpu.memory_space<vmem_shared>> -> memref<632x128xf32, #tpu.memory_space<vmem_shared>>
      tpu.enqueue_dma source(%dma_start3A_17 : memref<632x128xf32, #tpu.memory_space<vmem_shared>>) target(%dma_start3A_15 : memref<632x128xf32, #tpu.memory_space<hbm>>) target_semaphore(%run_scoped3A : memref<!tpu.dma_semaphore, #tpu.memory_space<semaphore_mem>>)
      %dma_wait3A = arith.constant 0 : i32
      %dma_wait3A_18 = tpu.memref_slice %arg5[%add3A, %dma_wait3A] : memref<20224x128xf32, #tpu.memory_space<hbm>> -> memref<632x128xf32, #tpu.memory_space<hbm>>
      %dma_wait3A_19 = arith.constant 0 : i32
      %dma_wait3A_20 = tpu.memref_slice %arg10[%mul3A_0, %dma_wait3A_19] : memref<10112x128xf32, #tpu.memory_space<vmem_shared>> -> memref<632x128xf32, #tpu.memory_space<vmem_shared>>
      tpu.wait_dma2 semaphore(%run_scoped3A : memref<!tpu.dma_semaphore, #tpu.memory_space<semaphore_mem>>) src(%dma_wait3A_20 : memref<632x128xf32, #tpu.memory_space<vmem_shared>>) dst(%dma_wait3A_18 : memref<632x128xf32, #tpu.memory_space<hbm>>)
      tpu.yield
    }) : () -> ()
    return
  }
}

module attributes {stable_mosaic.version = 14 : i64} {
  func.func @_dense1_body(%arg0: i32, %arg1: memref<1000x128xf32, #tpu.memory_space<vmem>>, %arg2: memref<1000x128xf32, #tpu.memory_space<vmem>>, %arg3: memref<1000x128xf32, #tpu.memory_space<vmem>>, %arg4: memref<1000x128xf32, #tpu.memory_space<vmem>>, %arg5: memref<128x128xf32, #tpu.memory_space<vmem>>, %arg6: memref<1000x128xf32, #tpu.memory_space<vmem>>, %arg7: memref<1000x1xf32, #tpu.memory_space<vmem>>) attributes {dimension_semantics = [#tpu.dimension_semantics<arbitrary>], iteration_bounds = array<i64: 10>, scalar_prefetch = 0 : i64, scratch_operands = 0 : i64, tpu.core_type = #tpu.core_type<tc>, window_params = [{transform_indices = @transform_0, window_bounds = array<i64: 1000, 128>}, {transform_indices = @transform_1, window_bounds = array<i64: 1000, 128>}, {transform_indices = @transform_2, window_bounds = array<i64: 1000, 128>}, {transform_indices = @transform_3, window_bounds = array<i64: 1000, 128>}, {pipeline_mode = #tpu.pipeline_mode<synchronous>, transform_indices = @transform_4, window_bounds = array<i64: 128, 128>}, {transform_indices = @transform_5, window_bounds = array<i64: 1000, 128>}, {transform_indices = @transform_6, window_bounds = array<i64: 1000, 1>}]} {
    %get3A = arith.constant 0 : index
    %get3A_0 = arith.constant 0 : index
    %get3A_1 = vector.load %arg1[%get3A, %get3A_0] : memref<1000x128xf32, #tpu.memory_space<vmem>>, vector<1000x128xf32>
    %get3A_2 = arith.constant 0 : index
    %get3A_3 = arith.constant 0 : index
    %get3A_4 = vector.load %arg2[%get3A_2, %get3A_3] : memref<1000x128xf32, #tpu.memory_space<vmem>>, vector<1000x128xf32>
    %add3A = arith.addf %get3A_1, %get3A_4 : vector<1000x128xf32>
    %get3A_5 = arith.constant 0 : index
    %get3A_6 = arith.constant 0 : index
    %get3A_7 = vector.load %arg3[%get3A_5, %get3A_6] : memref<1000x128xf32, #tpu.memory_space<vmem>>, vector<1000x1xf32>
    %get3A_8 = arith.constant 0 : index
    %get3A_9 = arith.constant 0 : index
    %get3A_10 = vector.load %arg4[%get3A_8, %get3A_9] : memref<1000x128xf32, #tpu.memory_space<vmem>>, vector<1000x1xf32>
    %add3A_11 = arith.addf %get3A_7, %get3A_10 : vector<1000x1xf32>
    %max3A = arith.constant 1.000000e+00 : f32
    %max3A_12 = vector.broadcast %max3A : f32 to vector<1000x1xf32>
    %max3A_13 = arith.maximumf %add3A_11, %max3A_12 : vector<1000x1xf32>
    %get3A_14 = arith.constant 0 : index
    %get3A_15 = arith.constant 0 : index
    %get3A_16 = vector.load %arg5[%get3A_14, %get3A_15] : memref<128x128xf32, #tpu.memory_space<vmem>>, vector<128x128xf32>
    %dot_general3A = arith.constant dense<0.000000e+00> : vector<1000x128xf32>
    %dot_general3A_17 = tpu.matmul %add3A, %get3A_16, %dot_general3A {dimension_numbers = #tpu.dot_dimension_numbers<[1], [0], [0], [1], [0, 0, 1, 1], [], []>, transpose_lhs_hint = false} : vector<1000x128xf32>, vector<128x128xf32>, vector<1000x128xf32> -> vector<1000x128xf32>
    %div3A = vector.broadcast %max3A_13 : vector<1000x1xf32> to vector<1000x128xf32>
    %div3A_18 = arith.divf %dot_general3A_17, %div3A : vector<1000x128xf32>
    %max3A_19 = arith.constant 0.000000e+00 : f32
    %max3A_20 = vector.broadcast %max3A_19 : f32 to vector<1000x128xf32>
    %max3A_21 = arith.maximumf %div3A_18, %max3A_20 : vector<1000x128xf32>
    %swap3A = arith.constant 0 : index
    %swap3A_22 = arith.constant 0 : index
    %swap3A_23 = vector.load %arg6[%swap3A, %swap3A_22] : memref<1000x128xf32, #tpu.memory_space<vmem>>, vector<1000x128xf32>
    tpu.vector_store %arg6[%swap3A, %swap3A_22], %max3A_21 {strides = array<i32>} : memref<1000x128xf32, #tpu.memory_space<vmem>>, vector<1000x128xf32>,
    %swap3A_24 = arith.constant 0 : index
    %swap3A_25 = arith.constant 0 : index
    %swap3A_26 = vector.load %arg7[%swap3A_24, %swap3A_25] : memref<1000x1xf32, #tpu.memory_space<vmem>>, vector<1000x1xf32>
    tpu.vector_store %arg7[%swap3A_24, %swap3A_25], %max3A_13 {strides = array<i32>} : memref<1000x1xf32, #tpu.memory_space<vmem>>, vector<1000x1xf32>,
    return
  }
  func.func @transform_0(%arg0: i32) -> (i32, i32) {
    %c0_i32 = arith.constant 0 : i32
    %c0_i32_0 = arith.constant 0 : i32
    return %arg0, %c0_i32 : i32, i32
  }
  func.func @transform_1(%arg0: i32) -> (i32, i32) {
    %c0_i32 = arith.constant 0 : i32
    %c0_i32_0 = arith.constant 0 : i32
    return %arg0, %c0_i32 : i32, i32
  }
  func.func @transform_2(%arg0: i32) -> (i32, i32) {
    %c0_i32 = arith.constant 0 : i32
    %c0_i32_0 = arith.constant 0 : i32
    return %arg0, %c0_i32 : i32, i32
  }
  func.func @transform_3(%arg0: i32) -> (i32, i32) {
    %c0_i32 = arith.constant 0 : i32
    %c0_i32_0 = arith.constant 0 : i32
    return %arg0, %c0_i32 : i32, i32
  }
  func.func @transform_4(%arg0: i32) -> (i32, i32) {
    %c0_i32 = arith.constant 0 : i32
    %c0_i32_0 = arith.constant 0 : i32
    %c0_i32_1 = arith.constant 0 : i32
    return %c0_i32, %c0_i32_0 : i32, i32
  }
  func.func @transform_5(%arg0: i32) -> (i32, i32) {
    %c0_i32 = arith.constant 0 : i32
    %c0_i32_0 = arith.constant 0 : i32
    return %arg0, %c0_i32 : i32, i32
  }
  func.func @transform_6(%arg0: i32) -> (i32, i32) {
    %c0_i32 = arith.constant 0 : i32
    %c0_i32_0 = arith.constant 0 : i32
    return %arg0, %c0_i32 : i32, i32
  }
}

module attributes {stable_mosaic.version = 14 : i64} {
  func.func @_dense2_body(%arg0: i32, %arg1: memref<400x128xf32, #tpu.memory_space<vmem>>, %arg2: memref<400x128xf32, #tpu.memory_space<vmem>>, %arg3: memref<400x1xf32, #tpu.memory_space<vmem>>, %arg4: memref<128x128xf32, #tpu.memory_space<vmem>>, %arg5: memref<400x8xi32, #tpu.memory_space<vmem>>, %arg6: memref<400x8xf32, #tpu.memory_space<vmem>>, %arg7: memref<256x128xf32, #tpu.memory_space<vmem>>, %arg8: memref<128x64xf32, #tpu.memory_space<vmem>>, %arg9: memref<1x64xf32, #tpu.memory_space<vmem>>, %arg10: memref<1x64xf32, #tpu.memory_space<vmem>>, %arg11: memref<128x64xf32, #tpu.memory_space<vmem>>, %arg12: memref<128x64xf32, #tpu.memory_space<vmem>>, %arg13: memref<1x64xf32, #tpu.memory_space<vmem>>, %arg14: memref<400x64xf32, #tpu.memory_space<vmem>>) attributes {dimension_semantics = [#tpu.dimension_semantics<arbitrary>], iteration_bounds = array<i64: 25>, scalar_prefetch = 0 : i64, scratch_operands = 0 : i64, tpu.core_type = #tpu.core_type<tc>, window_params = [{transform_indices = @transform_0, window_bounds = array<i64: 400, 128>}, {transform_indices = @transform_1, window_bounds = array<i64: 400, 128>}, {transform_indices = @transform_2, window_bounds = array<i64: 400, 1>}, {pipeline_mode = #tpu.pipeline_mode<synchronous>, transform_indices = @transform_3, window_bounds = array<i64: 128, 128>}, {transform_indices = @transform_4, window_bounds = array<i64: 400, 8>}, {transform_indices = @transform_5, window_bounds = array<i64: 400, 8>}, {pipeline_mode = #tpu.pipeline_mode<synchronous>, transform_indices = @transform_6, window_bounds = array<i64: 256, 128>}, {pipeline_mode = #tpu.pipeline_mode<synchronous>, transform_indices = @transform_7, window_bounds = array<i64: 128, 64>}, {pipeline_mode = #tpu.pipeline_mode<synchronous>, transform_indices = @transform_8, window_bounds = array<i64: 1, 64>}, {pipeline_mode = #tpu.pipeline_mode<synchronous>, transform_indices = @transform_9, window_bounds = array<i64: 1, 64>}, {pipeline_mode = #tpu.pipeline_mode<synchronous>, transform_indices = @transform_10, window_bounds = array<i64: 128, 64>}, {pipeline_mode = #tpu.pipeline_mode<synchronous>, transform_indices = @transform_11, window_bounds = array<i64: 128, 64>}, {pipeline_mode = #tpu.pipeline_mode<synchronous>, transform_indices = @transform_12, window_bounds = array<i64: 1, 64>}, {transform_indices = @transform_13, window_bounds = array<i64: 400, 64>}]} {
    %get3A = arith.constant 0 : index
    %get3A_0 = arith.constant 0 : index
    %get3A_1 = vector.load %arg1[%get3A, %get3A_0] : memref<400x128xf32, #tpu.memory_space<vmem>>, vector<400x128xf32>
    %get3A_2 = arith.constant 0 : index
    %get3A_3 = arith.constant 0 : index
    %get3A_4 = vector.load %arg2[%get3A_2, %get3A_3] : memref<400x128xf32, #tpu.memory_space<vmem>>, vector<400x128xf32>
    %add3A = arith.addf %get3A_1, %get3A_4 : vector<400x128xf32>
    %get3A_5 = arith.constant 0 : index
    %get3A_6 = arith.constant 0 : index
    %get3A_7 = vector.load %arg3[%get3A_5, %get3A_6] : memref<400x1xf32, #tpu.memory_space<vmem>>, vector<400x1xf32>
    %get3A_8 = arith.constant 0 : index
    %get3A_9 = arith.constant 0 : index
    %get3A_10 = vector.load %arg4[%get3A_8, %get3A_9] : memref<128x128xf32, #tpu.memory_space<vmem>>, vector<128x128xf32>
    %dot_general3A = arith.constant dense<0.000000e+00> : vector<400x128xf32>
    %dot_general3A_11 = tpu.matmul %add3A, %get3A_10, %dot_general3A {dimension_numbers = #tpu.dot_dimension_numbers<[1], [0], [0], [1], [0, 0, 1, 1], [], []>, transpose_lhs_hint = false} : vector<400x128xf32>, vector<128x128xf32>, vector<400x128xf32> -> vector<400x128xf32>
    %div3A = vector.broadcast %get3A_7 : vector<400x1xf32> to vector<400x128xf32>
    %div3A_12 = arith.divf %dot_general3A_11, %div3A : vector<400x128xf32>
    %max3A = arith.constant 0.000000e+00 : f32
    %max3A_13 = vector.broadcast %max3A : f32 to vector<400x128xf32>
    %max3A_14 = arith.maximumf %div3A_12, %max3A_13 : vector<400x128xf32>
    %get3A_15 = arith.constant 0 : index
    %get3A_16 = arith.constant 0 : index
    %get3A_17 = vector.load %arg5[%get3A_15, %get3A_16] : memref<400x8xi32, #tpu.memory_space<vmem>>, vector<400x8xi32>
    %get3A_18 = arith.constant 0 : index
    %get3A_19 = arith.constant 0 : index
    %get3A_20 = vector.load %arg6[%get3A_18, %get3A_19] : memref<400x8xf32, #tpu.memory_space<vmem>>, vector<400x8xf32>
    %iota3A = tpu.iota {dimensions = array<i32: 1>} : vector<400x256xi32>
    %slice3A = vector.extract_strided_slice %get3A_17 {offsets = [0, 0], sizes = [400, 1], strides = [1, 1]} : vector<400x8xi32> to vector<400x1xi32>
    %eq3A = vector.broadcast %slice3A : vector<400x1xi32> to vector<400x256xi32>
    %eq3A_21 = arith.cmpi eq, %iota3A, %eq3A : vector<400x256xi32>
    %slice3A_22 = vector.extract_strided_slice %get3A_20 {offsets = [0, 0], sizes = [400, 1], strides = [1, 1]} : vector<400x8xf32> to vector<400x1xf32>
    %jit3A = arith.constant 0.000000e+00 : f32
    %broadcast_in_dim3A = vector.shape_cast %slice3A_22 : vector<400x1xf32> to vector<400x1xf32>
    %broadcast_in_dim3A_23 = vector.broadcast %broadcast_in_dim3A : vector<400x1xf32> to vector<400x256xf32>
    %broadcast_in_dim3A_24 = vector.broadcast %jit3A : f32 to vector<400x256xf32>
    %select_n3A = arith.select %eq3A_21, %broadcast_in_dim3A_23, %broadcast_in_dim3A_24 : vector<400x256xi1>, vector<400x256xf32>
    %get3A_25 = arith.constant 0 : index
    %get3A_26 = arith.constant 0 : index
    %get3A_27 = vector.load %arg7[%get3A_25, %get3A_26] : memref<256x128xf32, #tpu.memory_space<vmem>>, vector<256x128xf32>
    %dot_general3A_28 = arith.constant dense<0.000000e+00> : vector<400x128xf32>
    %dot_general3A_29 = tpu.matmul %select_n3A, %get3A_27, %dot_general3A_28 {dimension_numbers = #tpu.dot_dimension_numbers<[1], [0], [0], [1], [0, 0, 1, 1], [], []>, transpose_lhs_hint = false} : vector<400x256xf32>, vector<256x128xf32>, vector<400x128xf32> -> vector<400x128xf32>
    %slice3A_30 = vector.extract_strided_slice %get3A_17 {offsets = [0, 1], sizes = [400, 1], strides = [1, 1]} : vector<400x8xi32> to vector<400x1xi32>
    %eq3A_31 = vector.broadcast %slice3A_30 : vector<400x1xi32> to vector<400x256xi32>
    %eq3A_32 = arith.cmpi eq, %iota3A, %eq3A_31 : vector<400x256xi32>
    %slice3A_33 = vector.extract_strided_slice %get3A_20 {offsets = [0, 1], sizes = [400, 1], strides = [1, 1]} : vector<400x8xf32> to vector<400x1xf32>
    %jit3A_34 = arith.constant 0.000000e+00 : f32
    %broadcast_in_dim3A_35 = vector.shape_cast %slice3A_33 : vector<400x1xf32> to vector<400x1xf32>
    %broadcast_in_dim3A_36 = vector.broadcast %broadcast_in_dim3A_35 : vector<400x1xf32> to vector<400x256xf32>
    %broadcast_in_dim3A_37 = vector.broadcast %jit3A_34 : f32 to vector<400x256xf32>
    %select_n3A_38 = arith.select %eq3A_32, %broadcast_in_dim3A_36, %broadcast_in_dim3A_37 : vector<400x256xi1>, vector<400x256xf32>
    %get3A_39 = arith.constant 0 : index
    %get3A_40 = arith.constant 0 : index
    %get3A_41 = vector.load %arg7[%get3A_39, %get3A_40] : memref<256x128xf32, #tpu.memory_space<vmem>>, vector<256x128xf32>
    %dot_general3A_42 = arith.constant dense<0.000000e+00> : vector<400x128xf32>
    %dot_general3A_43 = tpu.matmul %select_n3A_38, %get3A_41, %dot_general3A_42 {dimension_numbers = #tpu.dot_dimension_numbers<[1], [0], [0], [1], [0, 0, 1, 1], [], []>, transpose_lhs_hint = false} : vector<400x256xf32>, vector<256x128xf32>, vector<400x128xf32> -> vector<400x128xf32>
    %slice3A_44 = vector.extract_strided_slice %get3A_17 {offsets = [0, 2], sizes = [400, 1], strides = [1, 1]} : vector<400x8xi32> to vector<400x1xi32>
    %eq3A_45 = vector.broadcast %slice3A_44 : vector<400x1xi32> to vector<400x256xi32>
    %eq3A_46 = arith.cmpi eq, %iota3A, %eq3A_45 : vector<400x256xi32>
    %slice3A_47 = vector.extract_strided_slice %get3A_20 {offsets = [0, 2], sizes = [400, 1], strides = [1, 1]} : vector<400x8xf32> to vector<400x1xf32>
    %jit3A_48 = arith.constant 0.000000e+00 : f32
    %broadcast_in_dim3A_49 = vector.shape_cast %slice3A_47 : vector<400x1xf32> to vector<400x1xf32>
    %broadcast_in_dim3A_50 = vector.broadcast %broadcast_in_dim3A_49 : vector<400x1xf32> to vector<400x256xf32>
    %broadcast_in_dim3A_51 = vector.broadcast %jit3A_48 : f32 to vector<400x256xf32>
    %select_n3A_52 = arith.select %eq3A_46, %broadcast_in_dim3A_50, %broadcast_in_dim3A_51 : vector<400x256xi1>, vector<400x256xf32>
    %get3A_53 = arith.constant 0 : index
    %get3A_54 = arith.constant 0 : index
    %get3A_55 = vector.load %arg7[%get3A_53, %get3A_54] : memref<256x128xf32, #tpu.memory_space<vmem>>, vector<256x128xf32>
    %dot_general3A_56 = arith.constant dense<0.000000e+00> : vector<400x128xf32>
    %dot_general3A_57 = tpu.matmul %select_n3A_52, %get3A_55, %dot_general3A_56 {dimension_numbers = #tpu.dot_dimension_numbers<[1], [0], [0], [1], [0, 0, 1, 1], [], []>, transpose_lhs_hint = false} : vector<400x256xf32>, vector<256x128xf32>, vector<400x128xf32> -> vector<400x128xf32>
    %slice3A_58 = vector.extract_strided_slice %get3A_17 {offsets = [0, 3], sizes = [400, 1], strides = [1, 1]} : vector<400x8xi32> to vector<400x1xi32>
    %eq3A_59 = vector.broadcast %slice3A_58 : vector<400x1xi32> to vector<400x256xi32>
    %eq3A_60 = arith.cmpi eq, %iota3A, %eq3A_59 : vector<400x256xi32>
    %slice3A_61 = vector.extract_strided_slice %get3A_20 {offsets = [0, 3], sizes = [400, 1], strides = [1, 1]} : vector<400x8xf32> to vector<400x1xf32>
    %jit3A_62 = arith.constant 0.000000e+00 : f32
    %broadcast_in_dim3A_63 = vector.shape_cast %slice3A_61 : vector<400x1xf32> to vector<400x1xf32>
    %broadcast_in_dim3A_64 = vector.broadcast %broadcast_in_dim3A_63 : vector<400x1xf32> to vector<400x256xf32>
    %broadcast_in_dim3A_65 = vector.broadcast %jit3A_62 : f32 to vector<400x256xf32>
    %select_n3A_66 = arith.select %eq3A_60, %broadcast_in_dim3A_64, %broadcast_in_dim3A_65 : vector<400x256xi1>, vector<400x256xf32>
    %get3A_67 = arith.constant 0 : index
    %get3A_68 = arith.constant 0 : index
    %get3A_69 = vector.load %arg7[%get3A_67, %get3A_68] : memref<256x128xf32, #tpu.memory_space<vmem>>, vector<256x128xf32>
    %dot_general3A_70 = arith.constant dense<0.000000e+00> : vector<400x128xf32>
    %dot_general3A_71 = tpu.matmul %select_n3A_66, %get3A_69, %dot_general3A_70 {dimension_numbers = #tpu.dot_dimension_numbers<[1], [0], [0], [1], [0, 0, 1, 1], [], []>, transpose_lhs_hint = false} : vector<400x256xf32>, vector<256x128xf32>, vector<400x128xf32> -> vector<400x128xf32>
    %slice3A_72 = vector.extract_strided_slice %get3A_17 {offsets = [0, 4], sizes = [400, 1], strides = [1, 1]} : vector<400x8xi32> to vector<400x1xi32>
    %eq3A_73 = vector.broadcast %slice3A_72 : vector<400x1xi32> to vector<400x256xi32>
    %eq3A_74 = arith.cmpi eq, %iota3A, %eq3A_73 : vector<400x256xi32>
    %slice3A_75 = vector.extract_strided_slice %get3A_20 {offsets = [0, 4], sizes = [400, 1], strides = [1, 1]} : vector<400x8xf32> to vector<400x1xf32>
    %jit3A_76 = arith.constant 0.000000e+00 : f32
    %broadcast_in_dim3A_77 = vector.shape_cast %slice3A_75 : vector<400x1xf32> to vector<400x1xf32>
    %broadcast_in_dim3A_78 = vector.broadcast %broadcast_in_dim3A_77 : vector<400x1xf32> to vector<400x256xf32>
    %broadcast_in_dim3A_79 = vector.broadcast %jit3A_76 : f32 to vector<400x256xf32>
    %select_n3A_80 = arith.select %eq3A_74, %broadcast_in_dim3A_78, %broadcast_in_dim3A_79 : vector<400x256xi1>, vector<400x256xf32>
    %get3A_81 = arith.constant 0 : index
    %get3A_82 = arith.constant 0 : index
    %get3A_83 = vector.load %arg7[%get3A_81, %get3A_82] : memref<256x128xf32, #tpu.memory_space<vmem>>, vector<256x128xf32>
    %dot_general3A_84 = arith.constant dense<0.000000e+00> : vector<400x128xf32>
    %dot_general3A_85 = tpu.matmul %select_n3A_80, %get3A_83, %dot_general3A_84 {dimension_numbers = #tpu.dot_dimension_numbers<[1], [0], [0], [1], [0, 0, 1, 1], [], []>, transpose_lhs_hint = false} : vector<400x256xf32>, vector<256x128xf32>, vector<400x128xf32> -> vector<400x128xf32>
    %slice3A_86 = vector.extract_strided_slice %get3A_17 {offsets = [0, 5], sizes = [400, 1], strides = [1, 1]} : vector<400x8xi32> to vector<400x1xi32>
    %eq3A_87 = vector.broadcast %slice3A_86 : vector<400x1xi32> to vector<400x256xi32>
    %eq3A_88 = arith.cmpi eq, %iota3A, %eq3A_87 : vector<400x256xi32>
    %slice3A_89 = vector.extract_strided_slice %get3A_20 {offsets = [0, 5], sizes = [400, 1], strides = [1, 1]} : vector<400x8xf32> to vector<400x1xf32>
    %jit3A_90 = arith.constant 0.000000e+00 : f32
    %broadcast_in_dim3A_91 = vector.shape_cast %slice3A_89 : vector<400x1xf32> to vector<400x1xf32>
    %broadcast_in_dim3A_92 = vector.broadcast %broadcast_in_dim3A_91 : vector<400x1xf32> to vector<400x256xf32>
    %broadcast_in_dim3A_93 = vector.broadcast %jit3A_90 : f32 to vector<400x256xf32>
    %select_n3A_94 = arith.select %eq3A_88, %broadcast_in_dim3A_92, %broadcast_in_dim3A_93 : vector<400x256xi1>, vector<400x256xf32>
    %get3A_95 = arith.constant 0 : index
    %get3A_96 = arith.constant 0 : index
    %get3A_97 = vector.load %arg7[%get3A_95, %get3A_96] : memref<256x128xf32, #tpu.memory_space<vmem>>, vector<256x128xf32>
    %dot_general3A_98 = arith.constant dense<0.000000e+00> : vector<400x128xf32>
    %dot_general3A_99 = tpu.matmul %select_n3A_94, %get3A_97, %dot_general3A_98 {dimension_numbers = #tpu.dot_dimension_numbers<[1], [0], [0], [1], [0, 0, 1, 1], [], []>, transpose_lhs_hint = false} : vector<400x256xf32>, vector<256x128xf32>, vector<400x128xf32> -> vector<400x128xf32>
    %slice3A_100 = vector.extract_strided_slice %get3A_17 {offsets = [0, 6], sizes = [400, 1], strides = [1, 1]} : vector<400x8xi32> to vector<400x1xi32>
    %eq3A_101 = vector.broadcast %slice3A_100 : vector<400x1xi32> to vector<400x256xi32>
    %eq3A_102 = arith.cmpi eq, %iota3A, %eq3A_101 : vector<400x256xi32>
    %slice3A_103 = vector.extract_strided_slice %get3A_20 {offsets = [0, 6], sizes = [400, 1], strides = [1, 1]} : vector<400x8xf32> to vector<400x1xf32>
    %jit3A_104 = arith.constant 0.000000e+00 : f32
    %broadcast_in_dim3A_105 = vector.shape_cast %slice3A_103 : vector<400x1xf32> to vector<400x1xf32>
    %broadcast_in_dim3A_106 = vector.broadcast %broadcast_in_dim3A_105 : vector<400x1xf32> to vector<400x256xf32>
    %broadcast_in_dim3A_107 = vector.broadcast %jit3A_104 : f32 to vector<400x256xf32>
    %select_n3A_108 = arith.select %eq3A_102, %broadcast_in_dim3A_106, %broadcast_in_dim3A_107 : vector<400x256xi1>, vector<400x256xf32>
    %get3A_109 = arith.constant 0 : index
    %get3A_110 = arith.constant 0 : index
    %get3A_111 = vector.load %arg7[%get3A_109, %get3A_110] : memref<256x128xf32, #tpu.memory_space<vmem>>, vector<256x128xf32>
    %dot_general3A_112 = arith.constant dense<0.000000e+00> : vector<400x128xf32>
    %dot_general3A_113 = tpu.matmul %select_n3A_108, %get3A_111, %dot_general3A_112 {dimension_numbers = #tpu.dot_dimension_numbers<[1], [0], [0], [1], [0, 0, 1, 1], [], []>, transpose_lhs_hint = false} : vector<400x256xf32>, vector<256x128xf32>, vector<400x128xf32> -> vector<400x128xf32>
    %slice3A_114 = vector.extract_strided_slice %get3A_17 {offsets = [0, 7], sizes = [400, 1], strides = [1, 1]} : vector<400x8xi32> to vector<400x1xi32>
    %eq3A_115 = vector.broadcast %slice3A_114 : vector<400x1xi32> to vector<400x256xi32>
    %eq3A_116 = arith.cmpi eq, %iota3A, %eq3A_115 : vector<400x256xi32>
    %slice3A_117 = vector.extract_strided_slice %get3A_20 {offsets = [0, 7], sizes = [400, 1], strides = [1, 1]} : vector<400x8xf32> to vector<400x1xf32>
    %jit3A_118 = arith.constant 0.000000e+00 : f32
    %broadcast_in_dim3A_119 = vector.shape_cast %slice3A_117 : vector<400x1xf32> to vector<400x1xf32>
    %broadcast_in_dim3A_120 = vector.broadcast %broadcast_in_dim3A_119 : vector<400x1xf32> to vector<400x256xf32>
    %broadcast_in_dim3A_121 = vector.broadcast %jit3A_118 : f32 to vector<400x256xf32>
    %select_n3A_122 = arith.select %eq3A_116, %broadcast_in_dim3A_120, %broadcast_in_dim3A_121 : vector<400x256xi1>, vector<400x256xf32>
    %get3A_123 = arith.constant 0 : index
    %get3A_124 = arith.constant 0 : index
    %get3A_125 = vector.load %arg7[%get3A_123, %get3A_124] : memref<256x128xf32, #tpu.memory_space<vmem>>, vector<256x128xf32>
    %dot_general3A_126 = arith.constant dense<0.000000e+00> : vector<400x128xf32>
    %dot_general3A_127 = tpu.matmul %select_n3A_122, %get3A_125, %dot_general3A_126 {dimension_numbers = #tpu.dot_dimension_numbers<[1], [0], [0], [1], [0, 0, 1, 1], [], []>, transpose_lhs_hint = false} : vector<400x256xf32>, vector<256x128xf32>, vector<400x128xf32> -> vector<400x128xf32>
    %get3A_128 = arith.constant 0 : index
    %get3A_129 = arith.constant 0 : index
    %get3A_130 = vector.load %arg8[%get3A_128, %get3A_129] : memref<128x64xf32, #tpu.memory_space<vmem>>, vector<128x64xf32>
    %get3A_131 = arith.constant 0 : index
    %get3A_132 = arith.constant 0 : index
    %get3A_133 = vector.load %arg9[%get3A_131, %get3A_132] : memref<1x64xf32, #tpu.memory_space<vmem>>, vector<1x64xf32>
    %get3A_134 = arith.constant 0 : index
    %get3A_135 = arith.constant 0 : index
    %get3A_136 = vector.load %arg10[%get3A_134, %get3A_135] : memref<1x64xf32, #tpu.memory_space<vmem>>, vector<1x64xf32>
    %mul3A = arith.mulf %dot_general3A_29, %dot_general3A_43 : vector<400x128xf32>
    %dot_general3A_137 = arith.constant dense<0.000000e+00> : vector<400x64xf32>
    %dot_general3A_138 = tpu.matmul %mul3A, %get3A_130, %dot_general3A_137 {dimension_numbers = #tpu.dot_dimension_numbers<[1], [0], [0], [1], [0, 0, 1, 1], [], []>, transpose_lhs_hint = false} : vector<400x128xf32>, vector<128x64xf32>, vector<400x64xf32> -> vector<400x64xf32>
    %add3A_139 = vector.broadcast %get3A_133 : vector<1x64xf32> to vector<400x64xf32>
    %add3A_140 = arith.addf %dot_general3A_138, %add3A_139 : vector<400x64xf32>
    %max3A_141 = arith.constant 0.000000e+00 : f32
    %max3A_142 = vector.broadcast %max3A_141 : f32 to vector<400x64xf32>
    %max3A_143 = arith.maximumf %add3A_140, %max3A_142 : vector<400x64xf32>
    %mul3A_144 = vector.broadcast %get3A_136 : vector<1x64xf32> to vector<400x64xf32>
    %mul3A_145 = arith.mulf %max3A_143, %mul3A_144 : vector<400x64xf32>
    %reduce_sum3A = arith.constant dense<0.000000e+00> : vector<400xf32>
    %reduce_sum3A_146 = vector.multi_reduction <add>, %mul3A_145, %reduce_sum3A [1] : vector<400x64xf32> to vector<400xf32>
    %broadcast_in_dim3A_147 = vector.shape_cast %reduce_sum3A_146 : vector<400xf32> to vector<400x1xf32>
    %mul3A_148 = arith.mulf %dot_general3A_29, %dot_general3A_57 : vector<400x128xf32>
    %dot_general3A_149 = arith.constant dense<0.000000e+00> : vector<400x64xf32>
    %dot_general3A_150 = tpu.matmul %mul3A_148, %get3A_130, %dot_general3A_149 {dimension_numbers = #tpu.dot_dimension_numbers<[1], [0], [0], [1], [0, 0, 1, 1], [], []>, transpose_lhs_hint = false} : vector<400x128xf32>, vector<128x64xf32>, vector<400x64xf32> -> vector<400x64xf32>
    %add3A_151 = vector.broadcast %get3A_133 : vector<1x64xf32> to vector<400x64xf32>
    %add3A_152 = arith.addf %dot_general3A_150, %add3A_151 : vector<400x64xf32>
    %max3A_153 = arith.constant 0.000000e+00 : f32
    %max3A_154 = vector.broadcast %max3A_153 : f32 to vector<400x64xf32>
    %max3A_155 = arith.maximumf %add3A_152, %max3A_154 : vector<400x64xf32>
    %mul3A_156 = vector.broadcast %get3A_136 : vector<1x64xf32> to vector<400x64xf32>
    %mul3A_157 = arith.mulf %max3A_155, %mul3A_156 : vector<400x64xf32>
    %reduce_sum3A_158 = arith.constant dense<0.000000e+00> : vector<400xf32>
    %reduce_sum3A_159 = vector.multi_reduction <add>, %mul3A_157, %reduce_sum3A_158 [1] : vector<400x64xf32> to vector<400xf32>
    %broadcast_in_dim3A_160 = vector.shape_cast %reduce_sum3A_159 : vector<400xf32> to vector<400x1xf32>
    %mul3A_161 = arith.mulf %dot_general3A_29, %dot_general3A_71 : vector<400x128xf32>
    %dot_general3A_162 = arith.constant dense<0.000000e+00> : vector<400x64xf32>
    %dot_general3A_163 = tpu.matmul %mul3A_161, %get3A_130, %dot_general3A_162 {dimension_numbers = #tpu.dot_dimension_numbers<[1], [0], [0], [1], [0, 0, 1, 1], [], []>, transpose_lhs_hint = false} : vector<400x128xf32>, vector<128x64xf32>, vector<400x64xf32> -> vector<400x64xf32>
    %add3A_164 = vector.broadcast %get3A_133 : vector<1x64xf32> to vector<400x64xf32>
    %add3A_165 = arith.addf %dot_general3A_163, %add3A_164 : vector<400x64xf32>
    %max3A_166 = arith.constant 0.000000e+00 : f32
    %max3A_167 = vector.broadcast %max3A_166 : f32 to vector<400x64xf32>
    %max3A_168 = arith.maximumf %add3A_165, %max3A_167 : vector<400x64xf32>
    %mul3A_169 = vector.broadcast %get3A_136 : vector<1x64xf32> to vector<400x64xf32>
    %mul3A_170 = arith.mulf %max3A_168, %mul3A_169 : vector<400x64xf32>
    %reduce_sum3A_171 = arith.constant dense<0.000000e+00> : vector<400xf32>
    %reduce_sum3A_172 = vector.multi_reduction <add>, %mul3A_170, %reduce_sum3A_171 [1] : vector<400x64xf32> to vector<400xf32>
    %broadcast_in_dim3A_173 = vector.shape_cast %reduce_sum3A_172 : vector<400xf32> to vector<400x1xf32>
    %mul3A_174 = arith.mulf %dot_general3A_29, %dot_general3A_85 : vector<400x128xf32>
    %dot_general3A_175 = arith.constant dense<0.000000e+00> : vector<400x64xf32>
    %dot_general3A_176 = tpu.matmul %mul3A_174, %get3A_130, %dot_general3A_175 {dimension_numbers = #tpu.dot_dimension_numbers<[1], [0], [0], [1], [0, 0, 1, 1], [], []>, transpose_lhs_hint = false} : vector<400x128xf32>, vector<128x64xf32>, vector<400x64xf32> -> vector<400x64xf32>
    %add3A_177 = vector.broadcast %get3A_133 : vector<1x64xf32> to vector<400x64xf32>
    %add3A_178 = arith.addf %dot_general3A_176, %add3A_177 : vector<400x64xf32>
    %max3A_179 = arith.constant 0.000000e+00 : f32
    %max3A_180 = vector.broadcast %max3A_179 : f32 to vector<400x64xf32>
    %max3A_181 = arith.maximumf %add3A_178, %max3A_180 : vector<400x64xf32>
    %mul3A_182 = vector.broadcast %get3A_136 : vector<1x64xf32> to vector<400x64xf32>
    %mul3A_183 = arith.mulf %max3A_181, %mul3A_182 : vector<400x64xf32>
    %reduce_sum3A_184 = arith.constant dense<0.000000e+00> : vector<400xf32>
    %reduce_sum3A_185 = vector.multi_reduction <add>, %mul3A_183, %reduce_sum3A_184 [1] : vector<400x64xf32> to vector<400xf32>
    %broadcast_in_dim3A_186 = vector.shape_cast %reduce_sum3A_185 : vector<400xf32> to vector<400x1xf32>
    %mul3A_187 = arith.mulf %dot_general3A_29, %dot_general3A_99 : vector<400x128xf32>
    %dot_general3A_188 = arith.constant dense<0.000000e+00> : vector<400x64xf32>
    %dot_general3A_189 = tpu.matmul %mul3A_187, %get3A_130, %dot_general3A_188 {dimension_numbers = #tpu.dot_dimension_numbers<[1], [0], [0], [1], [0, 0, 1, 1], [], []>, transpose_lhs_hint = false} : vector<400x128xf32>, vector<128x64xf32>, vector<400x64xf32> -> vector<400x64xf32>
    %add3A_190 = vector.broadcast %get3A_133 : vector<1x64xf32> to vector<400x64xf32>
    %add3A_191 = arith.addf %dot_general3A_189, %add3A_190 : vector<400x64xf32>
    %max3A_192 = arith.constant 0.000000e+00 : f32
    %max3A_193 = vector.broadcast %max3A_192 : f32 to vector<400x64xf32>
    %max3A_194 = arith.maximumf %add3A_191, %max3A_193 : vector<400x64xf32>
    %mul3A_195 = vector.broadcast %get3A_136 : vector<1x64xf32> to vector<400x64xf32>
    %mul3A_196 = arith.mulf %max3A_194, %mul3A_195 : vector<400x64xf32>
    %reduce_sum3A_197 = arith.constant dense<0.000000e+00> : vector<400xf32>
    %reduce_sum3A_198 = vector.multi_reduction <add>, %mul3A_196, %reduce_sum3A_197 [1] : vector<400x64xf32> to vector<400xf32>
    %broadcast_in_dim3A_199 = vector.shape_cast %reduce_sum3A_198 : vector<400xf32> to vector<400x1xf32>
    %mul3A_200 = arith.mulf %dot_general3A_29, %dot_general3A_113 : vector<400x128xf32>
    %dot_general3A_201 = arith.constant dense<0.000000e+00> : vector<400x64xf32>
    %dot_general3A_202 = tpu.matmul %mul3A_200, %get3A_130, %dot_general3A_201 {dimension_numbers = #tpu.dot_dimension_numbers<[1], [0], [0], [1], [0, 0, 1, 1], [], []>, transpose_lhs_hint = false} : vector<400x128xf32>, vector<128x64xf32>, vector<400x64xf32> -> vector<400x64xf32>
    %add3A_203 = vector.broadcast %get3A_133 : vector<1x64xf32> to vector<400x64xf32>
    %add3A_204 = arith.addf %dot_general3A_202, %add3A_203 : vector<400x64xf32>
    %max3A_205 = arith.constant 0.000000e+00 : f32
    %max3A_206 = vector.broadcast %max3A_205 : f32 to vector<400x64xf32>
    %max3A_207 = arith.maximumf %add3A_204, %max3A_206 : vector<400x64xf32>
    %mul3A_208 = vector.broadcast %get3A_136 : vector<1x64xf32> to vector<400x64xf32>
    %mul3A_209 = arith.mulf %max3A_207, %mul3A_208 : vector<400x64xf32>
    %reduce_sum3A_210 = arith.constant dense<0.000000e+00> : vector<400xf32>
    %reduce_sum3A_211 = vector.multi_reduction <add>, %mul3A_209, %reduce_sum3A_210 [1] : vector<400x64xf32> to vector<400xf32>
    %broadcast_in_dim3A_212 = vector.shape_cast %reduce_sum3A_211 : vector<400xf32> to vector<400x1xf32>
    %mul3A_213 = arith.mulf %dot_general3A_29, %dot_general3A_127 : vector<400x128xf32>
    %dot_general3A_214 = arith.constant dense<0.000000e+00> : vector<400x64xf32>
    %dot_general3A_215 = tpu.matmul %mul3A_213, %get3A_130, %dot_general3A_214 {dimension_numbers = #tpu.dot_dimension_numbers<[1], [0], [0], [1], [0, 0, 1, 1], [], []>, transpose_lhs_hint = false} : vector<400x128xf32>, vector<128x64xf32>, vector<400x64xf32> -> vector<400x64xf32>
    %add3A_216 = vector.broadcast %get3A_133 : vector<1x64xf32> to vector<400x64xf32>
    %add3A_217 = arith.addf %dot_general3A_215, %add3A_216 : vector<400x64xf32>
    %max3A_218 = arith.constant 0.000000e+00 : f32
    %max3A_219 = vector.broadcast %max3A_218 : f32 to vector<400x64xf32>
    %max3A_220 = arith.maximumf %add3A_217, %max3A_219 : vector<400x64xf32>
    %mul3A_221 = vector.broadcast %get3A_136 : vector<1x64xf32> to vector<400x64xf32>
    %mul3A_222 = arith.mulf %max3A_220, %mul3A_221 : vector<400x64xf32>
    %reduce_sum3A_223 = arith.constant dense<0.000000e+00> : vector<400xf32>
    %reduce_sum3A_224 = vector.multi_reduction <add>, %mul3A_222, %reduce_sum3A_223 [1] : vector<400x64xf32> to vector<400xf32>
    %broadcast_in_dim3A_225 = vector.shape_cast %reduce_sum3A_224 : vector<400xf32> to vector<400x1xf32>
    %mul3A_226 = arith.mulf %dot_general3A_43, %dot_general3A_57 : vector<400x128xf32>
    %dot_general3A_227 = arith.constant dense<0.000000e+00> : vector<400x64xf32>
    %dot_general3A_228 = tpu.matmul %mul3A_226, %get3A_130, %dot_general3A_227 {dimension_numbers = #tpu.dot_dimension_numbers<[1], [0], [0], [1], [0, 0, 1, 1], [], []>, transpose_lhs_hint = false} : vector<400x128xf32>, vector<128x64xf32>, vector<400x64xf32> -> vector<400x64xf32>
    %add3A_229 = vector.broadcast %get3A_133 : vector<1x64xf32> to vector<400x64xf32>
    %add3A_230 = arith.addf %dot_general3A_228, %add3A_229 : vector<400x64xf32>
    %max3A_231 = arith.constant 0.000000e+00 : f32
    %max3A_232 = vector.broadcast %max3A_231 : f32 to vector<400x64xf32>
    %max3A_233 = arith.maximumf %add3A_230, %max3A_232 : vector<400x64xf32>
    %mul3A_234 = vector.broadcast %get3A_136 : vector<1x64xf32> to vector<400x64xf32>
    %mul3A_235 = arith.mulf %max3A_233, %mul3A_234 : vector<400x64xf32>
    %reduce_sum3A_236 = arith.constant dense<0.000000e+00> : vector<400xf32>
    %reduce_sum3A_237 = vector.multi_reduction <add>, %mul3A_235, %reduce_sum3A_236 [1] : vector<400x64xf32> to vector<400xf32>
    %broadcast_in_dim3A_238 = vector.shape_cast %reduce_sum3A_237 : vector<400xf32> to vector<400x1xf32>
    %mul3A_239 = arith.mulf %dot_general3A_43, %dot_general3A_71 : vector<400x128xf32>
    %dot_general3A_240 = arith.constant dense<0.000000e+00> : vector<400x64xf32>
    %dot_general3A_241 = tpu.matmul %mul3A_239, %get3A_130, %dot_general3A_240 {dimension_numbers = #tpu.dot_dimension_numbers<[1], [0], [0], [1], [0, 0, 1, 1], [], []>, transpose_lhs_hint = false} : vector<400x128xf32>, vector<128x64xf32>, vector<400x64xf32> -> vector<400x64xf32>
    %add3A_242 = vector.broadcast %get3A_133 : vector<1x64xf32> to vector<400x64xf32>
    %add3A_243 = arith.addf %dot_general3A_241, %add3A_242 : vector<400x64xf32>
    %max3A_244 = arith.constant 0.000000e+00 : f32
    %max3A_245 = vector.broadcast %max3A_244 : f32 to vector<400x64xf32>
    %max3A_246 = arith.maximumf %add3A_243, %max3A_245 : vector<400x64xf32>
    %mul3A_247 = vector.broadcast %get3A_136 : vector<1x64xf32> to vector<400x64xf32>
    %mul3A_248 = arith.mulf %max3A_246, %mul3A_247 : vector<400x64xf32>
    %reduce_sum3A_249 = arith.constant dense<0.000000e+00> : vector<400xf32>
    %reduce_sum3A_250 = vector.multi_reduction <add>, %mul3A_248, %reduce_sum3A_249 [1] : vector<400x64xf32> to vector<400xf32>
    %broadcast_in_dim3A_251 = vector.shape_cast %reduce_sum3A_250 : vector<400xf32> to vector<400x1xf32>
    %mul3A_252 = arith.mulf %dot_general3A_43, %dot_general3A_85 : vector<400x128xf32>
    %dot_general3A_253 = arith.constant dense<0.000000e+00> : vector<400x64xf32>
    %dot_general3A_254 = tpu.matmul %mul3A_252, %get3A_130, %dot_general3A_253 {dimension_numbers = #tpu.dot_dimension_numbers<[1], [0], [0], [1], [0, 0, 1, 1], [], []>, transpose_lhs_hint = false} : vector<400x128xf32>, vector<128x64xf32>, vector<400x64xf32> -> vector<400x64xf32>
    %add3A_255 = vector.broadcast %get3A_133 : vector<1x64xf32> to vector<400x64xf32>
    %add3A_256 = arith.addf %dot_general3A_254, %add3A_255 : vector<400x64xf32>
    %max3A_257 = arith.constant 0.000000e+00 : f32
    %max3A_258 = vector.broadcast %max3A_257 : f32 to vector<400x64xf32>
    %max3A_259 = arith.maximumf %add3A_256, %max3A_258 : vector<400x64xf32>
    %mul3A_260 = vector.broadcast %get3A_136 : vector<1x64xf32> to vector<400x64xf32>
    %mul3A_261 = arith.mulf %max3A_259, %mul3A_260 : vector<400x64xf32>
    %reduce_sum3A_262 = arith.constant dense<0.000000e+00> : vector<400xf32>
    %reduce_sum3A_263 = vector.multi_reduction <add>, %mul3A_261, %reduce_sum3A_262 [1] : vector<400x64xf32> to vector<400xf32>
    %broadcast_in_dim3A_264 = vector.shape_cast %reduce_sum3A_263 : vector<400xf32> to vector<400x1xf32>
    %mul3A_265 = arith.mulf %dot_general3A_43, %dot_general3A_99 : vector<400x128xf32>
    %dot_general3A_266 = arith.constant dense<0.000000e+00> : vector<400x64xf32>
    %dot_general3A_267 = tpu.matmul %mul3A_265, %get3A_130, %dot_general3A_266 {dimension_numbers = #tpu.dot_dimension_numbers<[1], [0], [0], [1], [0, 0, 1, 1], [], []>, transpose_lhs_hint = false} : vector<400x128xf32>, vector<128x64xf32>, vector<400x64xf32> -> vector<400x64xf32>
    %add3A_268 = vector.broadcast %get3A_133 : vector<1x64xf32> to vector<400x64xf32>
    %add3A_269 = arith.addf %dot_general3A_267, %add3A_268 : vector<400x64xf32>
    %max3A_270 = arith.constant 0.000000e+00 : f32
    %max3A_271 = vector.broadcast %max3A_270 : f32 to vector<400x64xf32>
    %max3A_272 = arith.maximumf %add3A_269, %max3A_271 : vector<400x64xf32>
    %mul3A_273 = vector.broadcast %get3A_136 : vector<1x64xf32> to vector<400x64xf32>
    %mul3A_274 = arith.mulf %max3A_272, %mul3A_273 : vector<400x64xf32>
    %reduce_sum3A_275 = arith.constant dense<0.000000e+00> : vector<400xf32>
    %reduce_sum3A_276 = vector.multi_reduction <add>, %mul3A_274, %reduce_sum3A_275 [1] : vector<400x64xf32> to vector<400xf32>
    %broadcast_in_dim3A_277 = vector.shape_cast %reduce_sum3A_276 : vector<400xf32> to vector<400x1xf32>
    %mul3A_278 = arith.mulf %dot_general3A_43, %dot_general3A_113 : vector<400x128xf32>
    %dot_general3A_279 = arith.constant dense<0.000000e+00> : vector<400x64xf32>
    %dot_general3A_280 = tpu.matmul %mul3A_278, %get3A_130, %dot_general3A_279 {dimension_numbers = #tpu.dot_dimension_numbers<[1], [0], [0], [1], [0, 0, 1, 1], [], []>, transpose_lhs_hint = false} : vector<400x128xf32>, vector<128x64xf32>, vector<400x64xf32> -> vector<400x64xf32>
    %add3A_281 = vector.broadcast %get3A_133 : vector<1x64xf32> to vector<400x64xf32>
    %add3A_282 = arith.addf %dot_general3A_280, %add3A_281 : vector<400x64xf32>
    %max3A_283 = arith.constant 0.000000e+00 : f32
    %max3A_284 = vector.broadcast %max3A_283 : f32 to vector<400x64xf32>
    %max3A_285 = arith.maximumf %add3A_282, %max3A_284 : vector<400x64xf32>
    %mul3A_286 = vector.broadcast %get3A_136 : vector<1x64xf32> to vector<400x64xf32>
    %mul3A_287 = arith.mulf %max3A_285, %mul3A_286 : vector<400x64xf32>
    %reduce_sum3A_288 = arith.constant dense<0.000000e+00> : vector<400xf32>
    %reduce_sum3A_289 = vector.multi_reduction <add>, %mul3A_287, %reduce_sum3A_288 [1] : vector<400x64xf32> to vector<400xf32>
    %broadcast_in_dim3A_290 = vector.shape_cast %reduce_sum3A_289 : vector<400xf32> to vector<400x1xf32>
    %mul3A_291 = arith.mulf %dot_general3A_43, %dot_general3A_127 : vector<400x128xf32>
    %dot_general3A_292 = arith.constant dense<0.000000e+00> : vector<400x64xf32>
    %dot_general3A_293 = tpu.matmul %mul3A_291, %get3A_130, %dot_general3A_292 {dimension_numbers = #tpu.dot_dimension_numbers<[1], [0], [0], [1], [0, 0, 1, 1], [], []>, transpose_lhs_hint = false} : vector<400x128xf32>, vector<128x64xf32>, vector<400x64xf32> -> vector<400x64xf32>
    %add3A_294 = vector.broadcast %get3A_133 : vector<1x64xf32> to vector<400x64xf32>
    %add3A_295 = arith.addf %dot_general3A_293, %add3A_294 : vector<400x64xf32>
    %max3A_296 = arith.constant 0.000000e+00 : f32
    %max3A_297 = vector.broadcast %max3A_296 : f32 to vector<400x64xf32>
    %max3A_298 = arith.maximumf %add3A_295, %max3A_297 : vector<400x64xf32>
    %mul3A_299 = vector.broadcast %get3A_136 : vector<1x64xf32> to vector<400x64xf32>
    %mul3A_300 = arith.mulf %max3A_298, %mul3A_299 : vector<400x64xf32>
    %reduce_sum3A_301 = arith.constant dense<0.000000e+00> : vector<400xf32>
    %reduce_sum3A_302 = vector.multi_reduction <add>, %mul3A_300, %reduce_sum3A_301 [1] : vector<400x64xf32> to vector<400xf32>
    %broadcast_in_dim3A_303 = vector.shape_cast %reduce_sum3A_302 : vector<400xf32> to vector<400x1xf32>
    %mul3A_304 = arith.mulf %dot_general3A_57, %dot_general3A_71 : vector<400x128xf32>
    %dot_general3A_305 = arith.constant dense<0.000000e+00> : vector<400x64xf32>
    %dot_general3A_306 = tpu.matmul %mul3A_304, %get3A_130, %dot_general3A_305 {dimension_numbers = #tpu.dot_dimension_numbers<[1], [0], [0], [1], [0, 0, 1, 1], [], []>, transpose_lhs_hint = false} : vector<400x128xf32>, vector<128x64xf32>, vector<400x64xf32> -> vector<400x64xf32>
    %add3A_307 = vector.broadcast %get3A_133 : vector<1x64xf32> to vector<400x64xf32>
    %add3A_308 = arith.addf %dot_general3A_306, %add3A_307 : vector<400x64xf32>
    %max3A_309 = arith.constant 0.000000e+00 : f32
    %max3A_310 = vector.broadcast %max3A_309 : f32 to vector<400x64xf32>
    %max3A_311 = arith.maximumf %add3A_308, %max3A_310 : vector<400x64xf32>
    %mul3A_312 = vector.broadcast %get3A_136 : vector<1x64xf32> to vector<400x64xf32>
    %mul3A_313 = arith.mulf %max3A_311, %mul3A_312 : vector<400x64xf32>
    %reduce_sum3A_314 = arith.constant dense<0.000000e+00> : vector<400xf32>
    %reduce_sum3A_315 = vector.multi_reduction <add>, %mul3A_313, %reduce_sum3A_314 [1] : vector<400x64xf32> to vector<400xf32>
    %broadcast_in_dim3A_316 = vector.shape_cast %reduce_sum3A_315 : vector<400xf32> to vector<400x1xf32>
    %mul3A_317 = arith.mulf %dot_general3A_57, %dot_general3A_85 : vector<400x128xf32>
    %dot_general3A_318 = arith.constant dense<0.000000e+00> : vector<400x64xf32>
    %dot_general3A_319 = tpu.matmul %mul3A_317, %get3A_130, %dot_general3A_318 {dimension_numbers = #tpu.dot_dimension_numbers<[1], [0], [0], [1], [0, 0, 1, 1], [], []>, transpose_lhs_hint = false} : vector<400x128xf32>, vector<128x64xf32>, vector<400x64xf32> -> vector<400x64xf32>
    %add3A_320 = vector.broadcast %get3A_133 : vector<1x64xf32> to vector<400x64xf32>
    %add3A_321 = arith.addf %dot_general3A_319, %add3A_320 : vector<400x64xf32>
    %max3A_322 = arith.constant 0.000000e+00 : f32
    %max3A_323 = vector.broadcast %max3A_322 : f32 to vector<400x64xf32>
    %max3A_324 = arith.maximumf %add3A_321, %max3A_323 : vector<400x64xf32>
    %mul3A_325 = vector.broadcast %get3A_136 : vector<1x64xf32> to vector<400x64xf32>
    %mul3A_326 = arith.mulf %max3A_324, %mul3A_325 : vector<400x64xf32>
    %reduce_sum3A_327 = arith.constant dense<0.000000e+00> : vector<400xf32>
    %reduce_sum3A_328 = vector.multi_reduction <add>, %mul3A_326, %reduce_sum3A_327 [1] : vector<400x64xf32> to vector<400xf32>
    %broadcast_in_dim3A_329 = vector.shape_cast %reduce_sum3A_328 : vector<400xf32> to vector<400x1xf32>
    %mul3A_330 = arith.mulf %dot_general3A_57, %dot_general3A_99 : vector<400x128xf32>
    %dot_general3A_331 = arith.constant dense<0.000000e+00> : vector<400x64xf32>
    %dot_general3A_332 = tpu.matmul %mul3A_330, %get3A_130, %dot_general3A_331 {dimension_numbers = #tpu.dot_dimension_numbers<[1], [0], [0], [1], [0, 0, 1, 1], [], []>, transpose_lhs_hint = false} : vector<400x128xf32>, vector<128x64xf32>, vector<400x64xf32> -> vector<400x64xf32>
    %add3A_333 = vector.broadcast %get3A_133 : vector<1x64xf32> to vector<400x64xf32>
    %add3A_334 = arith.addf %dot_general3A_332, %add3A_333 : vector<400x64xf32>
    %max3A_335 = arith.constant 0.000000e+00 : f32
    %max3A_336 = vector.broadcast %max3A_335 : f32 to vector<400x64xf32>
    %max3A_337 = arith.maximumf %add3A_334, %max3A_336 : vector<400x64xf32>
    %mul3A_338 = vector.broadcast %get3A_136 : vector<1x64xf32> to vector<400x64xf32>
    %mul3A_339 = arith.mulf %max3A_337, %mul3A_338 : vector<400x64xf32>
    %reduce_sum3A_340 = arith.constant dense<0.000000e+00> : vector<400xf32>
    %reduce_sum3A_341 = vector.multi_reduction <add>, %mul3A_339, %reduce_sum3A_340 [1] : vector<400x64xf32> to vector<400xf32>
    %broadcast_in_dim3A_342 = vector.shape_cast %reduce_sum3A_341 : vector<400xf32> to vector<400x1xf32>
    %mul3A_343 = arith.mulf %dot_general3A_57, %dot_general3A_113 : vector<400x128xf32>
    %dot_general3A_344 = arith.constant dense<0.000000e+00> : vector<400x64xf32>
    %dot_general3A_345 = tpu.matmul %mul3A_343, %get3A_130, %dot_general3A_344 {dimension_numbers = #tpu.dot_dimension_numbers<[1], [0], [0], [1], [0, 0, 1, 1], [], []>, transpose_lhs_hint = false} : vector<400x128xf32>, vector<128x64xf32>, vector<400x64xf32> -> vector<400x64xf32>
    %add3A_346 = vector.broadcast %get3A_133 : vector<1x64xf32> to vector<400x64xf32>
    %add3A_347 = arith.addf %dot_general3A_345, %add3A_346 : vector<400x64xf32>
    %max3A_348 = arith.constant 0.000000e+00 : f32
    %max3A_349 = vector.broadcast %max3A_348 : f32 to vector<400x64xf32>
    %max3A_350 = arith.maximumf %add3A_347, %max3A_349 : vector<400x64xf32>
    %mul3A_351 = vector.broadcast %get3A_136 : vector<1x64xf32> to vector<400x64xf32>
    %mul3A_352 = arith.mulf %max3A_350, %mul3A_351 : vector<400x64xf32>
    %reduce_sum3A_353 = arith.constant dense<0.000000e+00> : vector<400xf32>
    %reduce_sum3A_354 = vector.multi_reduction <add>, %mul3A_352, %reduce_sum3A_353 [1] : vector<400x64xf32> to vector<400xf32>
    %broadcast_in_dim3A_355 = vector.shape_cast %reduce_sum3A_354 : vector<400xf32> to vector<400x1xf32>
    %mul3A_356 = arith.mulf %dot_general3A_57, %dot_general3A_127 : vector<400x128xf32>
    %dot_general3A_357 = arith.constant dense<0.000000e+00> : vector<400x64xf32>
    %dot_general3A_358 = tpu.matmul %mul3A_356, %get3A_130, %dot_general3A_357 {dimension_numbers = #tpu.dot_dimension_numbers<[1], [0], [0], [1], [0, 0, 1, 1], [], []>, transpose_lhs_hint = false} : vector<400x128xf32>, vector<128x64xf32>, vector<400x64xf32> -> vector<400x64xf32>
    %add3A_359 = vector.broadcast %get3A_133 : vector<1x64xf32> to vector<400x64xf32>
    %add3A_360 = arith.addf %dot_general3A_358, %add3A_359 : vector<400x64xf32>
    %max3A_361 = arith.constant 0.000000e+00 : f32
    %max3A_362 = vector.broadcast %max3A_361 : f32 to vector<400x64xf32>
    %max3A_363 = arith.maximumf %add3A_360, %max3A_362 : vector<400x64xf32>
    %mul3A_364 = vector.broadcast %get3A_136 : vector<1x64xf32> to vector<400x64xf32>
    %mul3A_365 = arith.mulf %max3A_363, %mul3A_364 : vector<400x64xf32>
    %reduce_sum3A_366 = arith.constant dense<0.000000e+00> : vector<400xf32>
    %reduce_sum3A_367 = vector.multi_reduction <add>, %mul3A_365, %reduce_sum3A_366 [1] : vector<400x64xf32> to vector<400xf32>
    %broadcast_in_dim3A_368 = vector.shape_cast %reduce_sum3A_367 : vector<400xf32> to vector<400x1xf32>
    %mul3A_369 = arith.mulf %dot_general3A_71, %dot_general3A_85 : vector<400x128xf32>
    %dot_general3A_370 = arith.constant dense<0.000000e+00> : vector<400x64xf32>
    %dot_general3A_371 = tpu.matmul %mul3A_369, %get3A_130, %dot_general3A_370 {dimension_numbers = #tpu.dot_dimension_numbers<[1], [0], [0], [1], [0, 0, 1, 1], [], []>, transpose_lhs_hint = false} : vector<400x128xf32>, vector<128x64xf32>, vector<400x64xf32> -> vector<400x64xf32>
    %add3A_372 = vector.broadcast %get3A_133 : vector<1x64xf32> to vector<400x64xf32>
    %add3A_373 = arith.addf %dot_general3A_371, %add3A_372 : vector<400x64xf32>
    %max3A_374 = arith.constant 0.000000e+00 : f32
    %max3A_375 = vector.broadcast %max3A_374 : f32 to vector<400x64xf32>
    %max3A_376 = arith.maximumf %add3A_373, %max3A_375 : vector<400x64xf32>
    %mul3A_377 = vector.broadcast %get3A_136 : vector<1x64xf32> to vector<400x64xf32>
    %mul3A_378 = arith.mulf %max3A_376, %mul3A_377 : vector<400x64xf32>
    %reduce_sum3A_379 = arith.constant dense<0.000000e+00> : vector<400xf32>
    %reduce_sum3A_380 = vector.multi_reduction <add>, %mul3A_378, %reduce_sum3A_379 [1] : vector<400x64xf32> to vector<400xf32>
    %broadcast_in_dim3A_381 = vector.shape_cast %reduce_sum3A_380 : vector<400xf32> to vector<400x1xf32>
    %mul3A_382 = arith.mulf %dot_general3A_71, %dot_general3A_99 : vector<400x128xf32>
    %dot_general3A_383 = arith.constant dense<0.000000e+00> : vector<400x64xf32>
    %dot_general3A_384 = tpu.matmul %mul3A_382, %get3A_130, %dot_general3A_383 {dimension_numbers = #tpu.dot_dimension_numbers<[1], [0], [0], [1], [0, 0, 1, 1], [], []>, transpose_lhs_hint = false} : vector<400x128xf32>, vector<128x64xf32>, vector<400x64xf32> -> vector<400x64xf32>
    %add3A_385 = vector.broadcast %get3A_133 : vector<1x64xf32> to vector<400x64xf32>
    %add3A_386 = arith.addf %dot_general3A_384, %add3A_385 : vector<400x64xf32>
    %max3A_387 = arith.constant 0.000000e+00 : f32
    %max3A_388 = vector.broadcast %max3A_387 : f32 to vector<400x64xf32>
    %max3A_389 = arith.maximumf %add3A_386, %max3A_388 : vector<400x64xf32>
    %mul3A_390 = vector.broadcast %get3A_136 : vector<1x64xf32> to vector<400x64xf32>
    %mul3A_391 = arith.mulf %max3A_389, %mul3A_390 : vector<400x64xf32>
    %reduce_sum3A_392 = arith.constant dense<0.000000e+00> : vector<400xf32>
    %reduce_sum3A_393 = vector.multi_reduction <add>, %mul3A_391, %reduce_sum3A_392 [1] : vector<400x64xf32> to vector<400xf32>
    %broadcast_in_dim3A_394 = vector.shape_cast %reduce_sum3A_393 : vector<400xf32> to vector<400x1xf32>
    %mul3A_395 = arith.mulf %dot_general3A_71, %dot_general3A_113 : vector<400x128xf32>
    %dot_general3A_396 = arith.constant dense<0.000000e+00> : vector<400x64xf32>
    %dot_general3A_397 = tpu.matmul %mul3A_395, %get3A_130, %dot_general3A_396 {dimension_numbers = #tpu.dot_dimension_numbers<[1], [0], [0], [1], [0, 0, 1, 1], [], []>, transpose_lhs_hint = false} : vector<400x128xf32>, vector<128x64xf32>, vector<400x64xf32> -> vector<400x64xf32>
    %add3A_398 = vector.broadcast %get3A_133 : vector<1x64xf32> to vector<400x64xf32>
    %add3A_399 = arith.addf %dot_general3A_397, %add3A_398 : vector<400x64xf32>
    %max3A_400 = arith.constant 0.000000e+00 : f32
    %max3A_401 = vector.broadcast %max3A_400 : f32 to vector<400x64xf32>
    %max3A_402 = arith.maximumf %add3A_399, %max3A_401 : vector<400x64xf32>
    %mul3A_403 = vector.broadcast %get3A_136 : vector<1x64xf32> to vector<400x64xf32>
    %mul3A_404 = arith.mulf %max3A_402, %mul3A_403 : vector<400x64xf32>
    %reduce_sum3A_405 = arith.constant dense<0.000000e+00> : vector<400xf32>
    %reduce_sum3A_406 = vector.multi_reduction <add>, %mul3A_404, %reduce_sum3A_405 [1] : vector<400x64xf32> to vector<400xf32>
    %broadcast_in_dim3A_407 = vector.shape_cast %reduce_sum3A_406 : vector<400xf32> to vector<400x1xf32>
    %mul3A_408 = arith.mulf %dot_general3A_71, %dot_general3A_127 : vector<400x128xf32>
    %dot_general3A_409 = arith.constant dense<0.000000e+00> : vector<400x64xf32>
    %dot_general3A_410 = tpu.matmul %mul3A_408, %get3A_130, %dot_general3A_409 {dimension_numbers = #tpu.dot_dimension_numbers<[1], [0], [0], [1], [0, 0, 1, 1], [], []>, transpose_lhs_hint = false} : vector<400x128xf32>, vector<128x64xf32>, vector<400x64xf32> -> vector<400x64xf32>
    %add3A_411 = vector.broadcast %get3A_133 : vector<1x64xf32> to vector<400x64xf32>
    %add3A_412 = arith.addf %dot_general3A_410, %add3A_411 : vector<400x64xf32>
    %max3A_413 = arith.constant 0.000000e+00 : f32
    %max3A_414 = vector.broadcast %max3A_413 : f32 to vector<400x64xf32>
    %max3A_415 = arith.maximumf %add3A_412, %max3A_414 : vector<400x64xf32>
    %mul3A_416 = vector.broadcast %get3A_136 : vector<1x64xf32> to vector<400x64xf32>
    %mul3A_417 = arith.mulf %max3A_415, %mul3A_416 : vector<400x64xf32>
    %reduce_sum3A_418 = arith.constant dense<0.000000e+00> : vector<400xf32>
    %reduce_sum3A_419 = vector.multi_reduction <add>, %mul3A_417, %reduce_sum3A_418 [1] : vector<400x64xf32> to vector<400xf32>
    %broadcast_in_dim3A_420 = vector.shape_cast %reduce_sum3A_419 : vector<400xf32> to vector<400x1xf32>
    %mul3A_421 = arith.mulf %dot_general3A_85, %dot_general3A_99 : vector<400x128xf32>
    %dot_general3A_422 = arith.constant dense<0.000000e+00> : vector<400x64xf32>
    %dot_general3A_423 = tpu.matmul %mul3A_421, %get3A_130, %dot_general3A_422 {dimension_numbers = #tpu.dot_dimension_numbers<[1], [0], [0], [1], [0, 0, 1, 1], [], []>, transpose_lhs_hint = false} : vector<400x128xf32>, vector<128x64xf32>, vector<400x64xf32> -> vector<400x64xf32>
    %add3A_424 = vector.broadcast %get3A_133 : vector<1x64xf32> to vector<400x64xf32>
    %add3A_425 = arith.addf %dot_general3A_423, %add3A_424 : vector<400x64xf32>
    %max3A_426 = arith.constant 0.000000e+00 : f32
    %max3A_427 = vector.broadcast %max3A_426 : f32 to vector<400x64xf32>
    %max3A_428 = arith.maximumf %add3A_425, %max3A_427 : vector<400x64xf32>
    %mul3A_429 = vector.broadcast %get3A_136 : vector<1x64xf32> to vector<400x64xf32>
    %mul3A_430 = arith.mulf %max3A_428, %mul3A_429 : vector<400x64xf32>
    %reduce_sum3A_431 = arith.constant dense<0.000000e+00> : vector<400xf32>
    %reduce_sum3A_432 = vector.multi_reduction <add>, %mul3A_430, %reduce_sum3A_431 [1] : vector<400x64xf32> to vector<400xf32>
    %broadcast_in_dim3A_433 = vector.shape_cast %reduce_sum3A_432 : vector<400xf32> to vector<400x1xf32>
    %mul3A_434 = arith.mulf %dot_general3A_85, %dot_general3A_113 : vector<400x128xf32>
    %dot_general3A_435 = arith.constant dense<0.000000e+00> : vector<400x64xf32>
    %dot_general3A_436 = tpu.matmul %mul3A_434, %get3A_130, %dot_general3A_435 {dimension_numbers = #tpu.dot_dimension_numbers<[1], [0], [0], [1], [0, 0, 1, 1], [], []>, transpose_lhs_hint = false} : vector<400x128xf32>, vector<128x64xf32>, vector<400x64xf32> -> vector<400x64xf32>
    %add3A_437 = vector.broadcast %get3A_133 : vector<1x64xf32> to vector<400x64xf32>
    %add3A_438 = arith.addf %dot_general3A_436, %add3A_437 : vector<400x64xf32>
    %max3A_439 = arith.constant 0.000000e+00 : f32
    %max3A_440 = vector.broadcast %max3A_439 : f32 to vector<400x64xf32>
    %max3A_441 = arith.maximumf %add3A_438, %max3A_440 : vector<400x64xf32>
    %mul3A_442 = vector.broadcast %get3A_136 : vector<1x64xf32> to vector<400x64xf32>
    %mul3A_443 = arith.mulf %max3A_441, %mul3A_442 : vector<400x64xf32>
    %reduce_sum3A_444 = arith.constant dense<0.000000e+00> : vector<400xf32>
    %reduce_sum3A_445 = vector.multi_reduction <add>, %mul3A_443, %reduce_sum3A_444 [1] : vector<400x64xf32> to vector<400xf32>
    %broadcast_in_dim3A_446 = vector.shape_cast %reduce_sum3A_445 : vector<400xf32> to vector<400x1xf32>
    %mul3A_447 = arith.mulf %dot_general3A_85, %dot_general3A_127 : vector<400x128xf32>
    %dot_general3A_448 = arith.constant dense<0.000000e+00> : vector<400x64xf32>
    %dot_general3A_449 = tpu.matmul %mul3A_447, %get3A_130, %dot_general3A_448 {dimension_numbers = #tpu.dot_dimension_numbers<[1], [0], [0], [1], [0, 0, 1, 1], [], []>, transpose_lhs_hint = false} : vector<400x128xf32>, vector<128x64xf32>, vector<400x64xf32> -> vector<400x64xf32>
    %add3A_450 = vector.broadcast %get3A_133 : vector<1x64xf32> to vector<400x64xf32>
    %add3A_451 = arith.addf %dot_general3A_449, %add3A_450 : vector<400x64xf32>
    %max3A_452 = arith.constant 0.000000e+00 : f32
    %max3A_453 = vector.broadcast %max3A_452 : f32 to vector<400x64xf32>
    %max3A_454 = arith.maximumf %add3A_451, %max3A_453 : vector<400x64xf32>
    %mul3A_455 = vector.broadcast %get3A_136 : vector<1x64xf32> to vector<400x64xf32>
    %mul3A_456 = arith.mulf %max3A_454, %mul3A_455 : vector<400x64xf32>
    %reduce_sum3A_457 = arith.constant dense<0.000000e+00> : vector<400xf32>
    %reduce_sum3A_458 = vector.multi_reduction <add>, %mul3A_456, %reduce_sum3A_457 [1] : vector<400x64xf32> to vector<400xf32>
    %broadcast_in_dim3A_459 = vector.shape_cast %reduce_sum3A_458 : vector<400xf32> to vector<400x1xf32>
    %mul3A_460 = arith.mulf %dot_general3A_99, %dot_general3A_113 : vector<400x128xf32>
    %dot_general3A_461 = arith.constant dense<0.000000e+00> : vector<400x64xf32>
    %dot_general3A_462 = tpu.matmul %mul3A_460, %get3A_130, %dot_general3A_461 {dimension_numbers = #tpu.dot_dimension_numbers<[1], [0], [0], [1], [0, 0, 1, 1], [], []>, transpose_lhs_hint = false} : vector<400x128xf32>, vector<128x64xf32>, vector<400x64xf32> -> vector<400x64xf32>
    %add3A_463 = vector.broadcast %get3A_133 : vector<1x64xf32> to vector<400x64xf32>
    %add3A_464 = arith.addf %dot_general3A_462, %add3A_463 : vector<400x64xf32>
    %max3A_465 = arith.constant 0.000000e+00 : f32
    %max3A_466 = vector.broadcast %max3A_465 : f32 to vector<400x64xf32>
    %max3A_467 = arith.maximumf %add3A_464, %max3A_466 : vector<400x64xf32>
    %mul3A_468 = vector.broadcast %get3A_136 : vector<1x64xf32> to vector<400x64xf32>
    %mul3A_469 = arith.mulf %max3A_467, %mul3A_468 : vector<400x64xf32>
    %reduce_sum3A_470 = arith.constant dense<0.000000e+00> : vector<400xf32>
    %reduce_sum3A_471 = vector.multi_reduction <add>, %mul3A_469, %reduce_sum3A_470 [1] : vector<400x64xf32> to vector<400xf32>
    %broadcast_in_dim3A_472 = vector.shape_cast %reduce_sum3A_471 : vector<400xf32> to vector<400x1xf32>
    %mul3A_473 = arith.mulf %dot_general3A_99, %dot_general3A_127 : vector<400x128xf32>
    %dot_general3A_474 = arith.constant dense<0.000000e+00> : vector<400x64xf32>
    %dot_general3A_475 = tpu.matmul %mul3A_473, %get3A_130, %dot_general3A_474 {dimension_numbers = #tpu.dot_dimension_numbers<[1], [0], [0], [1], [0, 0, 1, 1], [], []>, transpose_lhs_hint = false} : vector<400x128xf32>, vector<128x64xf32>, vector<400x64xf32> -> vector<400x64xf32>
    %add3A_476 = vector.broadcast %get3A_133 : vector<1x64xf32> to vector<400x64xf32>
    %add3A_477 = arith.addf %dot_general3A_475, %add3A_476 : vector<400x64xf32>
    %max3A_478 = arith.constant 0.000000e+00 : f32
    %max3A_479 = vector.broadcast %max3A_478 : f32 to vector<400x64xf32>
    %max3A_480 = arith.maximumf %add3A_477, %max3A_479 : vector<400x64xf32>
    %mul3A_481 = vector.broadcast %get3A_136 : vector<1x64xf32> to vector<400x64xf32>
    %mul3A_482 = arith.mulf %max3A_480, %mul3A_481 : vector<400x64xf32>
    %reduce_sum3A_483 = arith.constant dense<0.000000e+00> : vector<400xf32>
    %reduce_sum3A_484 = vector.multi_reduction <add>, %mul3A_482, %reduce_sum3A_483 [1] : vector<400x64xf32> to vector<400xf32>
    %broadcast_in_dim3A_485 = vector.shape_cast %reduce_sum3A_484 : vector<400xf32> to vector<400x1xf32>
    %mul3A_486 = arith.mulf %dot_general3A_113, %dot_general3A_127 : vector<400x128xf32>
    %dot_general3A_487 = arith.constant dense<0.000000e+00> : vector<400x64xf32>
    %dot_general3A_488 = tpu.matmul %mul3A_486, %get3A_130, %dot_general3A_487 {dimension_numbers = #tpu.dot_dimension_numbers<[1], [0], [0], [1], [0, 0, 1, 1], [], []>, transpose_lhs_hint = false} : vector<400x128xf32>, vector<128x64xf32>, vector<400x64xf32> -> vector<400x64xf32>
    %add3A_489 = vector.broadcast %get3A_133 : vector<1x64xf32> to vector<400x64xf32>
    %add3A_490 = arith.addf %dot_general3A_488, %add3A_489 : vector<400x64xf32>
    %max3A_491 = arith.constant 0.000000e+00 : f32
    %max3A_492 = vector.broadcast %max3A_491 : f32 to vector<400x64xf32>
    %max3A_493 = arith.maximumf %add3A_490, %max3A_492 : vector<400x64xf32>
    %mul3A_494 = vector.broadcast %get3A_136 : vector<1x64xf32> to vector<400x64xf32>
    %mul3A_495 = arith.mulf %max3A_493, %mul3A_494 : vector<400x64xf32>
    %reduce_sum3A_496 = arith.constant dense<0.000000e+00> : vector<400xf32>
    %reduce_sum3A_497 = vector.multi_reduction <add>, %mul3A_495, %reduce_sum3A_496 [1] : vector<400x64xf32> to vector<400xf32>
    %broadcast_in_dim3A_498 = vector.shape_cast %reduce_sum3A_497 : vector<400xf32> to vector<400x1xf32>
    %concatenate3A = tpu.concatenate %broadcast_in_dim3A_147, %broadcast_in_dim3A_160, %broadcast_in_dim3A_173, %broadcast_in_dim3A_186, %broadcast_in_dim3A_199, %broadcast_in_dim3A_212, %broadcast_in_dim3A_225, %broadcast_in_dim3A_238, %broadcast_in_dim3A_251, %broadcast_in_dim3A_264, %broadcast_in_dim3A_277, %broadcast_in_dim3A_290, %broadcast_in_dim3A_303, %broadcast_in_dim3A_316, %broadcast_in_dim3A_329, %broadcast_in_dim3A_342, %broadcast_in_dim3A_355, %broadcast_in_dim3A_368, %broadcast_in_dim3A_381, %broadcast_in_dim3A_394, %broadcast_in_dim3A_407, %broadcast_in_dim3A_420, %broadcast_in_dim3A_433, %broadcast_in_dim3A_446, %broadcast_in_dim3A_459, %broadcast_in_dim3A_472, %broadcast_in_dim3A_485, %broadcast_in_dim3A_498 in 1 : vector<400x1xf32>, vector<400x1xf32>, vector<400x1xf32>, vector<400x1xf32>, vector<400x1xf32>, vector<400x1xf32>, vector<400x1xf32>, vector<400x1xf32>, vector<400x1xf32>, vector<400x1xf32>, vector<400x1xf32>, vector<400x1xf32>, vector<400x1xf32>, vector<400x1xf32>, vector<400x1xf32>, vector<400x1xf32>, vector<400x1xf32>, vector<400x1xf32>, vector<400x1xf32>, vector<400x1xf32>, vector<400x1xf32>, vector<400x1xf32>, vector<400x1xf32>, vector<400x1xf32>, vector<400x1xf32>, vector<400x1xf32>, vector<400x1xf32>, vector<400x1xf32> -> vector<400x28xf32>
    %reduce_max3A = arith.constant dense<0xFF800000> : vector<400xf32>
    %reduce_max3A_499 = vector.multi_reduction <maximumf>, %concatenate3A, %reduce_max3A [1] : vector<400x28xf32> to vector<400xf32>
    %broadcast_in_dim3A_500 = vector.shape_cast %reduce_max3A_499 : vector<400xf32> to vector<400x1xf32>
    %sub3A = vector.broadcast %broadcast_in_dim3A_500 : vector<400x1xf32> to vector<400x28xf32>
    %sub3A_501 = arith.subf %concatenate3A, %sub3A : vector<400x28xf32>
    %exp3A = math.exp %sub3A_501 : vector<400x28xf32>
    %reduce_sum3A_502 = arith.constant dense<0.000000e+00> : vector<400xf32>
    %reduce_sum3A_503 = vector.multi_reduction <add>, %exp3A, %reduce_sum3A_502 [1] : vector<400x28xf32> to vector<400xf32>
    %broadcast_in_dim3A_504 = vector.shape_cast %reduce_sum3A_503 : vector<400xf32> to vector<400x1xf32>
    %div3A_505 = vector.broadcast %broadcast_in_dim3A_504 : vector<400x1xf32> to vector<400x28xf32>
    %div3A_506 = arith.divf %exp3A, %div3A_505 : vector<400x28xf32>
    %broadcast_in_dim3A_507 = arith.constant 0.000000e+00 : f32
    %broadcast_in_dim3A_508 = vector.broadcast %broadcast_in_dim3A_507 : f32 to vector<400x128xf32>
    %slice3A_509 = vector.extract_strided_slice %div3A_506 {offsets = [0, 0], sizes = [400, 1], strides = [1, 1]} : vector<400x28xf32> to vector<400x1xf32>
    %mul3A_510 = arith.mulf %dot_general3A_29, %dot_general3A_43 : vector<400x128xf32>
    %mul3A_511 = vector.broadcast %slice3A_509 : vector<400x1xf32> to vector<400x128xf32>
    %mul3A_512 = arith.mulf %mul3A_511, %mul3A_510 : vector<400x128xf32>
    %add3A_513 = arith.addf %broadcast_in_dim3A_508, %mul3A_512 : vector<400x128xf32>
    %slice3A_514 = vector.extract_strided_slice %div3A_506 {offsets = [0, 1], sizes = [400, 1], strides = [1, 1]} : vector<400x28xf32> to vector<400x1xf32>
    %mul3A_515 = arith.mulf %dot_general3A_29, %dot_general3A_57 : vector<400x128xf32>
    %mul3A_516 = vector.broadcast %slice3A_514 : vector<400x1xf32> to vector<400x128xf32>
    %mul3A_517 = arith.mulf %mul3A_516, %mul3A_515 : vector<400x128xf32>
    %add3A_518 = arith.addf %add3A_513, %mul3A_517 : vector<400x128xf32>
    %slice3A_519 = vector.extract_strided_slice %div3A_506 {offsets = [0, 2], sizes = [400, 1], strides = [1, 1]} : vector<400x28xf32> to vector<400x1xf32>
    %mul3A_520 = arith.mulf %dot_general3A_29, %dot_general3A_71 : vector<400x128xf32>
    %mul3A_521 = vector.broadcast %slice3A_519 : vector<400x1xf32> to vector<400x128xf32>
    %mul3A_522 = arith.mulf %mul3A_521, %mul3A_520 : vector<400x128xf32>
    %add3A_523 = arith.addf %add3A_518, %mul3A_522 : vector<400x128xf32>
    %slice3A_524 = vector.extract_strided_slice %div3A_506 {offsets = [0, 3], sizes = [400, 1], strides = [1, 1]} : vector<400x28xf32> to vector<400x1xf32>
    %mul3A_525 = arith.mulf %dot_general3A_29, %dot_general3A_85 : vector<400x128xf32>
    %mul3A_526 = vector.broadcast %slice3A_524 : vector<400x1xf32> to vector<400x128xf32>
    %mul3A_527 = arith.mulf %mul3A_526, %mul3A_525 : vector<400x128xf32>
    %add3A_528 = arith.addf %add3A_523, %mul3A_527 : vector<400x128xf32>
    %slice3A_529 = vector.extract_strided_slice %div3A_506 {offsets = [0, 4], sizes = [400, 1], strides = [1, 1]} : vector<400x28xf32> to vector<400x1xf32>
    %mul3A_530 = arith.mulf %dot_general3A_29, %dot_general3A_99 : vector<400x128xf32>
    %mul3A_531 = vector.broadcast %slice3A_529 : vector<400x1xf32> to vector<400x128xf32>
    %mul3A_532 = arith.mulf %mul3A_531, %mul3A_530 : vector<400x128xf32>
    %add3A_533 = arith.addf %add3A_528, %mul3A_532 : vector<400x128xf32>
    %slice3A_534 = vector.extract_strided_slice %div3A_506 {offsets = [0, 5], sizes = [400, 1], strides = [1, 1]} : vector<400x28xf32> to vector<400x1xf32>
    %mul3A_535 = arith.mulf %dot_general3A_29, %dot_general3A_113 : vector<400x128xf32>
    %mul3A_536 = vector.broadcast %slice3A_534 : vector<400x1xf32> to vector<400x128xf32>
    %mul3A_537 = arith.mulf %mul3A_536, %mul3A_535 : vector<400x128xf32>
    %add3A_538 = arith.addf %add3A_533, %mul3A_537 : vector<400x128xf32>
    %slice3A_539 = vector.extract_strided_slice %div3A_506 {offsets = [0, 6], sizes = [400, 1], strides = [1, 1]} : vector<400x28xf32> to vector<400x1xf32>
    %mul3A_540 = arith.mulf %dot_general3A_29, %dot_general3A_127 : vector<400x128xf32>
    %mul3A_541 = vector.broadcast %slice3A_539 : vector<400x1xf32> to vector<400x128xf32>
    %mul3A_542 = arith.mulf %mul3A_541, %mul3A_540 : vector<400x128xf32>
    %add3A_543 = arith.addf %add3A_538, %mul3A_542 : vector<400x128xf32>
    %slice3A_544 = vector.extract_strided_slice %div3A_506 {offsets = [0, 7], sizes = [400, 1], strides = [1, 1]} : vector<400x28xf32> to vector<400x1xf32>
    %mul3A_545 = arith.mulf %dot_general3A_43, %dot_general3A_57 : vector<400x128xf32>
    %mul3A_546 = vector.broadcast %slice3A_544 : vector<400x1xf32> to vector<400x128xf32>
    %mul3A_547 = arith.mulf %mul3A_546, %mul3A_545 : vector<400x128xf32>
    %add3A_548 = arith.addf %add3A_543, %mul3A_547 : vector<400x128xf32>
    %slice3A_549 = vector.extract_strided_slice %div3A_506 {offsets = [0, 8], sizes = [400, 1], strides = [1, 1]} : vector<400x28xf32> to vector<400x1xf32>
    %mul3A_550 = arith.mulf %dot_general3A_43, %dot_general3A_71 : vector<400x128xf32>
    %mul3A_551 = vector.broadcast %slice3A_549 : vector<400x1xf32> to vector<400x128xf32>
    %mul3A_552 = arith.mulf %mul3A_551, %mul3A_550 : vector<400x128xf32>
    %add3A_553 = arith.addf %add3A_548, %mul3A_552 : vector<400x128xf32>
    %slice3A_554 = vector.extract_strided_slice %div3A_506 {offsets = [0, 9], sizes = [400, 1], strides = [1, 1]} : vector<400x28xf32> to vector<400x1xf32>
    %mul3A_555 = arith.mulf %dot_general3A_43, %dot_general3A_85 : vector<400x128xf32>
    %mul3A_556 = vector.broadcast %slice3A_554 : vector<400x1xf32> to vector<400x128xf32>
    %mul3A_557 = arith.mulf %mul3A_556, %mul3A_555 : vector<400x128xf32>
    %add3A_558 = arith.addf %add3A_553, %mul3A_557 : vector<400x128xf32>
    %slice3A_559 = vector.extract_strided_slice %div3A_506 {offsets = [0, 10], sizes = [400, 1], strides = [1, 1]} : vector<400x28xf32> to vector<400x1xf32>
    %mul3A_560 = arith.mulf %dot_general3A_43, %dot_general3A_99 : vector<400x128xf32>
    %mul3A_561 = vector.broadcast %slice3A_559 : vector<400x1xf32> to vector<400x128xf32>
    %mul3A_562 = arith.mulf %mul3A_561, %mul3A_560 : vector<400x128xf32>
    %add3A_563 = arith.addf %add3A_558, %mul3A_562 : vector<400x128xf32>
    %slice3A_564 = vector.extract_strided_slice %div3A_506 {offsets = [0, 11], sizes = [400, 1], strides = [1, 1]} : vector<400x28xf32> to vector<400x1xf32>
    %mul3A_565 = arith.mulf %dot_general3A_43, %dot_general3A_113 : vector<400x128xf32>
    %mul3A_566 = vector.broadcast %slice3A_564 : vector<400x1xf32> to vector<400x128xf32>
    %mul3A_567 = arith.mulf %mul3A_566, %mul3A_565 : vector<400x128xf32>
    %add3A_568 = arith.addf %add3A_563, %mul3A_567 : vector<400x128xf32>
    %slice3A_569 = vector.extract_strided_slice %div3A_506 {offsets = [0, 12], sizes = [400, 1], strides = [1, 1]} : vector<400x28xf32> to vector<400x1xf32>
    %mul3A_570 = arith.mulf %dot_general3A_43, %dot_general3A_127 : vector<400x128xf32>
    %mul3A_571 = vector.broadcast %slice3A_569 : vector<400x1xf32> to vector<400x128xf32>
    %mul3A_572 = arith.mulf %mul3A_571, %mul3A_570 : vector<400x128xf32>
    %add3A_573 = arith.addf %add3A_568, %mul3A_572 : vector<400x128xf32>
    %slice3A_574 = vector.extract_strided_slice %div3A_506 {offsets = [0, 13], sizes = [400, 1], strides = [1, 1]} : vector<400x28xf32> to vector<400x1xf32>
    %mul3A_575 = arith.mulf %dot_general3A_57, %dot_general3A_71 : vector<400x128xf32>
    %mul3A_576 = vector.broadcast %slice3A_574 : vector<400x1xf32> to vector<400x128xf32>
    %mul3A_577 = arith.mulf %mul3A_576, %mul3A_575 : vector<400x128xf32>
    %add3A_578 = arith.addf %add3A_573, %mul3A_577 : vector<400x128xf32>
    %slice3A_579 = vector.extract_strided_slice %div3A_506 {offsets = [0, 14], sizes = [400, 1], strides = [1, 1]} : vector<400x28xf32> to vector<400x1xf32>
    %mul3A_580 = arith.mulf %dot_general3A_57, %dot_general3A_85 : vector<400x128xf32>
    %mul3A_581 = vector.broadcast %slice3A_579 : vector<400x1xf32> to vector<400x128xf32>
    %mul3A_582 = arith.mulf %mul3A_581, %mul3A_580 : vector<400x128xf32>
    %add3A_583 = arith.addf %add3A_578, %mul3A_582 : vector<400x128xf32>
    %slice3A_584 = vector.extract_strided_slice %div3A_506 {offsets = [0, 15], sizes = [400, 1], strides = [1, 1]} : vector<400x28xf32> to vector<400x1xf32>
    %mul3A_585 = arith.mulf %dot_general3A_57, %dot_general3A_99 : vector<400x128xf32>
    %mul3A_586 = vector.broadcast %slice3A_584 : vector<400x1xf32> to vector<400x128xf32>
    %mul3A_587 = arith.mulf %mul3A_586, %mul3A_585 : vector<400x128xf32>
    %add3A_588 = arith.addf %add3A_583, %mul3A_587 : vector<400x128xf32>
    %slice3A_589 = vector.extract_strided_slice %div3A_506 {offsets = [0, 16], sizes = [400, 1], strides = [1, 1]} : vector<400x28xf32> to vector<400x1xf32>
    %mul3A_590 = arith.mulf %dot_general3A_57, %dot_general3A_113 : vector<400x128xf32>
    %mul3A_591 = vector.broadcast %slice3A_589 : vector<400x1xf32> to vector<400x128xf32>
    %mul3A_592 = arith.mulf %mul3A_591, %mul3A_590 : vector<400x128xf32>
    %add3A_593 = arith.addf %add3A_588, %mul3A_592 : vector<400x128xf32>
    %slice3A_594 = vector.extract_strided_slice %div3A_506 {offsets = [0, 17], sizes = [400, 1], strides = [1, 1]} : vector<400x28xf32> to vector<400x1xf32>
    %mul3A_595 = arith.mulf %dot_general3A_57, %dot_general3A_127 : vector<400x128xf32>
    %mul3A_596 = vector.broadcast %slice3A_594 : vector<400x1xf32> to vector<400x128xf32>
    %mul3A_597 = arith.mulf %mul3A_596, %mul3A_595 : vector<400x128xf32>
    %add3A_598 = arith.addf %add3A_593, %mul3A_597 : vector<400x128xf32>
    %slice3A_599 = vector.extract_strided_slice %div3A_506 {offsets = [0, 18], sizes = [400, 1], strides = [1, 1]} : vector<400x28xf32> to vector<400x1xf32>
    %mul3A_600 = arith.mulf %dot_general3A_71, %dot_general3A_85 : vector<400x128xf32>
    %mul3A_601 = vector.broadcast %slice3A_599 : vector<400x1xf32> to vector<400x128xf32>
    %mul3A_602 = arith.mulf %mul3A_601, %mul3A_600 : vector<400x128xf32>
    %add3A_603 = arith.addf %add3A_598, %mul3A_602 : vector<400x128xf32>
    %slice3A_604 = vector.extract_strided_slice %div3A_506 {offsets = [0, 19], sizes = [400, 1], strides = [1, 1]} : vector<400x28xf32> to vector<400x1xf32>
    %mul3A_605 = arith.mulf %dot_general3A_71, %dot_general3A_99 : vector<400x128xf32>
    %mul3A_606 = vector.broadcast %slice3A_604 : vector<400x1xf32> to vector<400x128xf32>
    %mul3A_607 = arith.mulf %mul3A_606, %mul3A_605 : vector<400x128xf32>
    %add3A_608 = arith.addf %add3A_603, %mul3A_607 : vector<400x128xf32>
    %slice3A_609 = vector.extract_strided_slice %div3A_506 {offsets = [0, 20], sizes = [400, 1], strides = [1, 1]} : vector<400x28xf32> to vector<400x1xf32>
    %mul3A_610 = arith.mulf %dot_general3A_71, %dot_general3A_113 : vector<400x128xf32>
    %mul3A_611 = vector.broadcast %slice3A_609 : vector<400x1xf32> to vector<400x128xf32>
    %mul3A_612 = arith.mulf %mul3A_611, %mul3A_610 : vector<400x128xf32>
    %add3A_613 = arith.addf %add3A_608, %mul3A_612 : vector<400x128xf32>
    %slice3A_614 = vector.extract_strided_slice %div3A_506 {offsets = [0, 21], sizes = [400, 1], strides = [1, 1]} : vector<400x28xf32> to vector<400x1xf32>
    %mul3A_615 = arith.mulf %dot_general3A_71, %dot_general3A_127 : vector<400x128xf32>
    %mul3A_616 = vector.broadcast %slice3A_614 : vector<400x1xf32> to vector<400x128xf32>
    %mul3A_617 = arith.mulf %mul3A_616, %mul3A_615 : vector<400x128xf32>
    %add3A_618 = arith.addf %add3A_613, %mul3A_617 : vector<400x128xf32>
    %slice3A_619 = vector.extract_strided_slice %div3A_506 {offsets = [0, 22], sizes = [400, 1], strides = [1, 1]} : vector<400x28xf32> to vector<400x1xf32>
    %mul3A_620 = arith.mulf %dot_general3A_85, %dot_general3A_99 : vector<400x128xf32>
    %mul3A_621 = vector.broadcast %slice3A_619 : vector<400x1xf32> to vector<400x128xf32>
    %mul3A_622 = arith.mulf %mul3A_621, %mul3A_620 : vector<400x128xf32>
    %add3A_623 = arith.addf %add3A_618, %mul3A_622 : vector<400x128xf32>
    %slice3A_624 = vector.extract_strided_slice %div3A_506 {offsets = [0, 23], sizes = [400, 1], strides = [1, 1]} : vector<400x28xf32> to vector<400x1xf32>
    %mul3A_625 = arith.mulf %dot_general3A_85, %dot_general3A_113 : vector<400x128xf32>
    %mul3A_626 = vector.broadcast %slice3A_624 : vector<400x1xf32> to vector<400x128xf32>
    %mul3A_627 = arith.mulf %mul3A_626, %mul3A_625 : vector<400x128xf32>
    %add3A_628 = arith.addf %add3A_623, %mul3A_627 : vector<400x128xf32>
    %slice3A_629 = vector.extract_strided_slice %div3A_506 {offsets = [0, 24], sizes = [400, 1], strides = [1, 1]} : vector<400x28xf32> to vector<400x1xf32>
    %mul3A_630 = arith.mulf %dot_general3A_85, %dot_general3A_127 : vector<400x128xf32>
    %mul3A_631 = vector.broadcast %slice3A_629 : vector<400x1xf32> to vector<400x128xf32>
    %mul3A_632 = arith.mulf %mul3A_631, %mul3A_630 : vector<400x128xf32>
    %add3A_633 = arith.addf %add3A_628, %mul3A_632 : vector<400x128xf32>
    %slice3A_634 = vector.extract_strided_slice %div3A_506 {offsets = [0, 25], sizes = [400, 1], strides = [1, 1]} : vector<400x28xf32> to vector<400x1xf32>
    %mul3A_635 = arith.mulf %dot_general3A_99, %dot_general3A_113 : vector<400x128xf32>
    %mul3A_636 = vector.broadcast %slice3A_634 : vector<400x1xf32> to vector<400x128xf32>
    %mul3A_637 = arith.mulf %mul3A_636, %mul3A_635 : vector<400x128xf32>
    %add3A_638 = arith.addf %add3A_633, %mul3A_637 : vector<400x128xf32>
    %slice3A_639 = vector.extract_strided_slice %div3A_506 {offsets = [0, 26], sizes = [400, 1], strides = [1, 1]} : vector<400x28xf32> to vector<400x1xf32>
    %mul3A_640 = arith.mulf %dot_general3A_99, %dot_general3A_127 : vector<400x128xf32>
    %mul3A_641 = vector.broadcast %slice3A_639 : vector<400x1xf32> to vector<400x128xf32>
    %mul3A_642 = arith.mulf %mul3A_641, %mul3A_640 : vector<400x128xf32>
    %add3A_643 = arith.addf %add3A_638, %mul3A_642 : vector<400x128xf32>
    %slice3A_644 = vector.extract_strided_slice %div3A_506 {offsets = [0, 27], sizes = [400, 1], strides = [1, 1]} : vector<400x28xf32> to vector<400x1xf32>
    %mul3A_645 = arith.mulf %dot_general3A_113, %dot_general3A_127 : vector<400x128xf32>
    %mul3A_646 = vector.broadcast %slice3A_644 : vector<400x1xf32> to vector<400x128xf32>
    %mul3A_647 = arith.mulf %mul3A_646, %mul3A_645 : vector<400x128xf32>
    %add3A_648 = arith.addf %add3A_643, %mul3A_647 : vector<400x128xf32>
    %get3A_649 = arith.constant 0 : index
    %get3A_650 = arith.constant 0 : index
    %get3A_651 = vector.load %arg11[%get3A_649, %get3A_650] : memref<128x64xf32, #tpu.memory_space<vmem>>, vector<128x64xf32>
    %dot_general3A_652 = arith.constant dense<0.000000e+00> : vector<400x64xf32>
    %dot_general3A_653 = tpu.matmul %max3A_14, %get3A_651, %dot_general3A_652 {dimension_numbers = #tpu.dot_dimension_numbers<[1], [0], [0], [1], [0, 0, 1, 1], [], []>, transpose_lhs_hint = false} : vector<400x128xf32>, vector<128x64xf32>, vector<400x64xf32> -> vector<400x64xf32>
    %get3A_654 = arith.constant 0 : index
    %get3A_655 = arith.constant 0 : index
    %get3A_656 = vector.load %arg12[%get3A_654, %get3A_655] : memref<128x64xf32, #tpu.memory_space<vmem>>, vector<128x64xf32>
    %dot_general3A_657 = arith.constant dense<0.000000e+00> : vector<400x64xf32>
    %dot_general3A_658 = tpu.matmul %add3A_648, %get3A_656, %dot_general3A_657 {dimension_numbers = #tpu.dot_dimension_numbers<[1], [0], [0], [1], [0, 0, 1, 1], [], []>, transpose_lhs_hint = false} : vector<400x128xf32>, vector<128x64xf32>, vector<400x64xf32> -> vector<400x64xf32>
    %add3A_659 = arith.addf %dot_general3A_653, %dot_general3A_658 : vector<400x64xf32>
    %get3A_660 = arith.constant 0 : index
    %get3A_661 = arith.constant 0 : index
    %get3A_662 = vector.load %arg13[%get3A_660, %get3A_661] : memref<1x64xf32, #tpu.memory_space<vmem>>, vector<1x64xf32>
    %add3A_663 = vector.broadcast %get3A_662 : vector<1x64xf32> to vector<400x64xf32>
    %add3A_664 = arith.addf %add3A_659, %add3A_663 : vector<400x64xf32>
    %swap3A = arith.constant 0 : index
    %swap3A_665 = arith.constant 0 : index
    %swap3A_666 = vector.load %arg14[%swap3A, %swap3A_665] : memref<400x64xf32, #tpu.memory_space<vmem>>, vector<400x64xf32>
    tpu.vector_store %arg14[%swap3A, %swap3A_665], %add3A_664 {strides = array<i32>} : memref<400x64xf32, #tpu.memory_space<vmem>>, vector<400x64xf32>,
    return
  }
  func.func @transform_0(%arg0: i32) -> (i32, i32) {
    %c0_i32 = arith.constant 0 : i32
    %c0_i32_0 = arith.constant 0 : i32
    return %arg0, %c0_i32 : i32, i32
  }
  func.func @transform_1(%arg0: i32) -> (i32, i32) {
    %c0_i32 = arith.constant 0 : i32
    %c0_i32_0 = arith.constant 0 : i32
    return %arg0, %c0_i32 : i32, i32
  }
  func.func @transform_2(%arg0: i32) -> (i32, i32) {
    %c0_i32 = arith.constant 0 : i32
    %c0_i32_0 = arith.constant 0 : i32
    return %arg0, %c0_i32 : i32, i32
  }
  func.func @transform_3(%arg0: i32) -> (i32, i32) {
    %c0_i32 = arith.constant 0 : i32
    %c0_i32_0 = arith.constant 0 : i32
    %c0_i32_1 = arith.constant 0 : i32
    return %c0_i32, %c0_i32_0 : i32, i32
  }
  func.func @transform_4(%arg0: i32) -> (i32, i32) {
    %c0_i32 = arith.constant 0 : i32
    %c0_i32_0 = arith.constant 0 : i32
    return %arg0, %c0_i32 : i32, i32
  }
  func.func @transform_5(%arg0: i32) -> (i32, i32) {
    %c0_i32 = arith.constant 0 : i32
    %c0_i32_0 = arith.constant 0 : i32
    return %arg0, %c0_i32 : i32, i32
  }
  func.func @transform_6(%arg0: i32) -> (i32, i32) {
    %c0_i32 = arith.constant 0 : i32
    %c0_i32_0 = arith.constant 0 : i32
    %c0_i32_1 = arith.constant 0 : i32
    return %c0_i32, %c0_i32_0 : i32, i32
  }
  func.func @transform_7(%arg0: i32) -> (i32, i32) {
    %c0_i32 = arith.constant 0 : i32
    %c0_i32_0 = arith.constant 0 : i32
    %c0_i32_1 = arith.constant 0 : i32
    return %c0_i32, %c0_i32_0 : i32, i32
  }
  func.func @transform_8(%arg0: i32) -> (i32, i32) {
    %c0_i32 = arith.constant 0 : i32
    %c0_i32_0 = arith.constant 0 : i32
    %c0_i32_1 = arith.constant 0 : i32
    return %c0_i32, %c0_i32_0 : i32, i32
  }
  func.func @transform_9(%arg0: i32) -> (i32, i32) {
    %c0_i32 = arith.constant 0 : i32
    %c0_i32_0 = arith.constant 0 : i32
    %c0_i32_1 = arith.constant 0 : i32
    return %c0_i32, %c0_i32_0 : i32, i32
  }
  func.func @transform_10(%arg0: i32) -> (i32, i32) {
    %c0_i32 = arith.constant 0 : i32
    %c0_i32_0 = arith.constant 0 : i32
    %c0_i32_1 = arith.constant 0 : i32
    return %c0_i32, %c0_i32_0 : i32, i32
  }
  func.func @transform_11(%arg0: i32) -> (i32, i32) {
    %c0_i32 = arith.constant 0 : i32
    %c0_i32_0 = arith.constant 0 : i32
    %c0_i32_1 = arith.constant 0 : i32
    return %c0_i32, %c0_i32_0 : i32, i32
  }
  func.func @transform_12(%arg0: i32) -> (i32, i32) {
    %c0_i32 = arith.constant 0 : i32
    %c0_i32_0 = arith.constant 0 : i32
    %c0_i32_1 = arith.constant 0 : i32
    return %c0_i32, %c0_i32_0 : i32, i32
  }
  func.func @transform_13(%arg0: i32) -> (i32, i32) {
    %c0_i32 = arith.constant 0 : i32
    %c0_i32_0 = arith.constant 0 : i32
    return %arg0, %c0_i32 : i32, i32
  }
}

</mosaic_0001>

<sc_bundles>
// kernel: kernel.10.cloned.1.call-start
scs
__scs_entry_jumppad:
0x0: {  	(pc) =	sbr.rel $0x88, $3  }
0x1: {  	(tag) =	ssettag $0x0;
	lr =	simm.s32 $0x1  }
0x2: {  	[smem:$0x3F95] =	sst lr;
	_ =	strace $0xD0000000  }
0x3: {  	_ = 	snop  }
0x4: {  	_ = 	snop  }
0x5: {  	_ = 	snop  }
0x6: {  	_ = 	snop  }
0x7: {  	_ = 	snop  }
__scs_overlays_trampoline_lowered:
0x8: {  	[smem:$0x3FA4] =	sst s0  }
0x9: {  	[smem:$0x3FA5] =	sst s1  }
0xa: {  	[smem:$0x3FA6] =	sst s2  }
0xb: {  	[smem:$0x3FA7] =	sst s3  }
0xc: {  	[smem:$0x3FA8] =	sst s4  }
0xd: {  	[smem:$0x3FA9] =	sst s5  }
0xe: {  	[smem:$0x3FAA] =	sst s6  }
0xf: {  	[smem:$0x3FAB] =	sst s7  }
0x10: {  	[smem:$0x3FAC] =	sst s8  }
0x11: {  	[smem:$0x3FAD] =	sst s9;
	s0 =	simm.s32 @!p0 $0x0  }
0x12: {  	s1 =	sld [smem:$0x3F93];
	s0 =	simm.s32 @p0 $0x1  }
0x13: {  	[smem:$0x3FAE] =	sst s0;
	s0 =	simm.s32 @!p1 $0x0  }
0x14: {  	s2 =	sld [smem:$0x3F92];
	s0 =	simm.s32 @p1 $0x1  }
0x15: {  	[smem:$0x3FAF] =	sst s0;
	s0 =	simm.s32 @!p2 $0x0  }
0x16: {  	s3 =	sld [smem:$0x3FDB];
	s0 =	simm.s32 @p2 $0x1  }
0x17: {  	s4 =	simm.s32 $0x1BF5;
	[smem:$0x3FB1] =	sst s0  }
0x18: {  	s0 =	sld [smem:$0x3F94];
	_ =	swait.ge [sflag:s4], $0x0  }
0x19: {  	s7 =	sld [smem:$0x3F95]  }
0x1a: {  	s8 =	sadd.s32 $0xFFFFE003, lr  }
0x1b: {  	s9 =	sadd.s32 $0xFFFFFEF7, lr;
	s5 =	simm.s32 $0xFFFFFFFF;
	p2 =	slt.u32 s8, $0xFFFFF086  }
0x1c: {  	p1 =	slt.u32 s9, $0xF7A;
	s5 =	simm.s32 @!p2 $0x0  }
0x1d: {  	s5 =	simm.s32 @p1 $0x1;
	p0 =	seq.s32 s7, s2  }
0x1e: {  	s7 =	smul.u32 @!p0 $0xF7A, s2;
	p2 =	seq.s32 @!p0 s5, $0x0  }
0x1f: {  	s9 =	smul.u32 $0xF7A, s1;
	s8 =	simm.s32 @!p0 $0x1BF5;
	p2 =	por !p2, p0  }
0x20: {  	[sflag:s8] =	ssyncset.s32 @!p0 $0xFFFFF086;
	s6 =	sadd.s32 @!p0 s3, s7;
	s7 =	simm.s32 @!p0 $0x108  }
0x21: {  	s3 =	sadd.s32 s3, s9;
	s6 =	sadd.s32 @!p0 $0x88, s6;
	s7 =	simm.s32 @p2 $0x1082  }
0x22: {  	[simem:s7], [sflag:s8] =	dma.local @!p0 [hbm:s6], $0xF7A  }
0x23: {  	s9 =	sor.u32 $0xD0000000, s2;
	s6 =	simm.s32 $0x108;
	_ =	swait.ge @!p0 [sflag:s8], $0x0  }
0x24: {  	s3 =	sadd.s32 $0x88, s3;
	s6 =	simm.s32 @!p1 $0x1082;
	[sflag:s4] =	ssyncset.s32 $0xFFFFF086  }
0x25: {  	[simem:s6], [sflag:s4] =	dma.local [hbm:s3], $0xF7A  }
0x26: {  	[smem:$0x3F95] =	sst s1;
	(tag) =	ssettag s2;
	_ =	strace s9  }
0x27: {  	s1 =	sld [smem:$0x3FA5]  }
0x28: {  	s2 =	sld [smem:$0x3FA6]  }
0x29: {  	s4 =	sld [smem:$0x3FA8]  }
0x2a: {  	p0 =	seq.s32 s5, $0x0;
	s5 =	sld [smem:$0x3FA9]  }
0x2b: {  	s6 =	sld [smem:$0x3FAA]  }
0x2c: {  	s7 =	sld [smem:$0x3FAB]  }
0x2d: {  	s3 =	simm.s32 $0x108;
	s8 =	sld [smem:$0x3FAC]  }
0x2e: {  	s3 =	simm.s32 @!p0 $0x1082;
	s9 =	sld [smem:$0x3FAD]  }
0x2f: {  	lr =	sadd.s32 s0, s3;
	s0 =	sld [smem:$0x3FA4]  }
0x30: {  	s3 =	sld [smem:$0x3FA7]  }
0x31: {  	[smem:$0x3FB0] =	sst s10  }
0x32: {  	s10 =	sld [smem:$0x3FAE];
	_ =	sdelay $0x3  }
0x33: {  	p0 =	seq.s32 s10, $0x1;
	s10 =	sld [smem:$0x3FB0];
	_ =	sdelay $0x3  }
0x34: {  	[smem:$0x3FB0] =	sst s10  }
0x35: {  	s10 =	sld [smem:$0x3FAF];
	_ =	sdelay $0x3  }
0x36: {  	p1 =	seq.s32 s10, $0x1;
	s10 =	sld [smem:$0x3FB0];
	_ =	sdelay $0x3  }
0x37: {  	[smem:$0x3FB0] =	sst s10  }
0x38: {  	s10 =	sld [smem:$0x3FB1]  }
0x39: {  	_ = 	snop;
	(pc) =	sbr.ind lr, $3  }
0x3a: {  	_ = 	snop  }
0x3b: {  	_ = 	snop  }
0x3c: {  	p2 =	seq.s32 s10, $0x1;
	s10 =	sld [smem:$0x3FB0]  }
0x3d: {  	_ =	shalt  }
0x3e: {  	_ =	shalt  }
0x3f: {  	_ =	shalt  }
0x40: {  	_ =	shalt  }
0x41: {  	_ =	shalt  }
0x42: {  	_ =	shalt  }
0x43: {  	_ =	shalt  }
0x44: {  	_ =	shalt  }
0x45: {  	_ =	shalt  }
0x46: {  	_ =	shalt  }
0x47: {  	_ =	shalt  }
0x48: {  	_ =	shalt  }
0x49: {  	_ =	shalt  }
0x4a: {  	_ =	shalt  }
0x4b: {  	_ =	shalt  }
0x4c: {  	_ =	shalt  }
0x4d: {  	_ =	shalt  }
0x4e: {  	_ =	shalt  }
0x4f: {  	_ =	shalt  }
0x50: {  	_ =	shalt  }
0x51: {  	_ =	shalt  }
0x52: {  	_ =	shalt  }
0x53: {  	_ =	shalt  }
0x54: {  	_ =	shalt  }
0x55: {  	_ =	shalt  }
0x56: {  	_ =	shalt  }
0x57: {  	_ =	shalt  }
0x58: {  	_ =	shalt  }
0x59: {  	_ =	shalt  }
0x5a: {  	_ =	shalt  }
0x5b: {  	_ =	shalt  }
0x5c: {  	_ =	shalt  }
0x5d: {  	_ =	shalt  }
0x5e: {  	_ =	shalt  }
0x5f: {  	_ =	shalt  }
0x60: {  	_ =	shalt  }
0x61: {  	_ =	shalt  }
0x62: {  	_ =	shalt  }
0x63: {  	_ =	shalt  }
0x64: {  	_ =	shalt  }
0x65: {  	_ =	shalt  }
0x66: {  	_ =	shalt  }
0x67: {  	_ =	shalt  }
0x68: {  	_ =	shalt  }
0x69: {  	_ =	shalt  }
0x6a: {  	_ =	shalt  }
0x6b: {  	_ =	shalt  }
0x6c: {  	_ =	shalt  }
0x6d: {  	_ =	shalt  }
0x6e: {  	_ =	shalt  }
0x6f: {  	_ =	shalt  }
0x70: {  	_ =	shalt  }
0x71: {  	_ =	shalt  }
0x72: {  	_ =	shalt  }
0x73: {  	_ =	shalt  }
0x74: {  	_ =	shalt  }
0x75: {  	_ =	shalt  }
0x76: {  	_ =	shalt  }
0x77: {  	_ =	shalt  }
0x78: {  	_ =	shalt  }
0x79: {  	_ =	shalt  }
0x7a: {  	_ =	shalt  }
0x7b: {  	_ =	shalt  }
0x7c: {  	_ =	shalt  }
0x7d: {  	_ =	shalt  }
0x7e: {  	_ =	shalt  }
0x7f: {  	_ =	shalt  }
0x80: {  	_ =	shalt  }
0x81: {  	_ =	shalt  }
0x82: {  	_ =	shalt  }
0x83: {  	_ =	shalt  }
0x84: {  	_ =	shalt  }
0x85: {  	_ =	shalt  }
0x86: {  	_ =	shalt  }
0x87: {  	_ =	shalt  }
.Lfunc_end0:
.L_simem_size_0:
called_computation.1_lowered:
.L_overlay_start_0:
0x88: {  	s2 =	sld [smem:$0x3FD9]  }
0x89: {  	s3 =	sld [smem:$0x3FFE];
	_ =	sdelay $0x1  }
0x8a: {  	s1 =	srdreg.scid  }
0x8b: {  	s0 =	sand.u32 $0x1, s1  }
0x8c: {  	s17 =	sshll.u32 s0, $0xA;
	s2 =	sadd.s32 s3, s2  }
0x8d: {  	s2 =	sadd.s32 s2, s17  }
0x8e: {  	[smem:$0x3FBC] =	sst s2  }
0x8f: {  	_ = 	snop  }
0x90: {  	s2 =	sld [smem:$0x3FD0];
	(tm) =	ssettm $0x1  }
0x91: {  	s18 =	sld [smem:$0x3FFB];
	_ =	sdelay $0x3  }
0x92: {  	_ =	strace s18  }
0x93: {  	s3 =	sld [smem:$0x3FFC];
	_ =	sdelay $0x3  }
0x94: {  	_ =	strace s3  }
0x95: {  	s3 =	sld [smem:$0x3FFD];
	_ =	sdelay $0x3  }
0x96: {  	_ =	strace s3  }
0x97: {  	_ =	strace $0x8FFFFFFF  }
0x98: {  	s19 =	sld [smem:$0x3FDB];
	_ =	sdelay $0x1  }
0x99: {  	s4 =	simm.s32 $_scs_section_size  }
0x9a: {  	s5 =	simm.s32 $_size__tile_overlayer_lowered;
	s6 =	simm.s32 $_tile_overlayer_lowered  }
0x9b: {  	s22 =	simm.s32 $0x1BFF;
	s21 =	sshll.u32 s6, $0x1;
	s3 =	sadd.s32 s4, s19  }
0x9c: {  	s7 =	simm.s32 $0x0;
	s20 =	sshll.u32 s5, $0x1;
	s5 =	sadd.s32 s21, s3  }
0x9d: {  	[timem:s7], [sflag:s22] =	dma.local [hbm:s5], s20  }
0x9e: {  	_ =	swait.ge [sflag:s22], s20  }
0x9f: {  	s4 =	ssub.s32 $0x0, s20;
	[sflag:s22] =	ssyncset.done $0x0  }
0xa0: {  	[sflag:s22] =	ssyncadd.s32 s4;
	_ =	sdelay $0x1  }
0xa1: {  	s23 =	simm.s32 $0x1B8B  }
0xa2: {  	_ =	swait.ge [sflag:s23], $0x1  }
0xa3: {  	[sflag:s23] =	ssyncset.done $0x0  }
0xa4: {  	s25 =	simm.s32 $0x1B8E;
	s24 =	sld [smem:$0x3FFE];
	[sflag:s23] =	ssyncadd.s32 $0xFFFFFFFF  }
0xa5: {  	s26 =	simm.s32 $execute0_lowered;
	[smem:$0x3FD2] =	sst s25  }
0xa6: {  	s5 =	sshll.u32 s26, $0x1;
	_ =	strace $0x80000046;
	[dreg:$0x1] =	wrdreg $0xFFFFFFFF  }
0xa7: {  	s28 =	simm.s32 $_size_execute0_lowered;
	s3 =	sadd.s32 s3, s5;
	[dreg:$0x0] =	wrdreg $0x0  }
0xa8: {  	s5 =	sshll.u32 s28, $0x1;
	[dreg:$0x2] =	wrdreg s3  }
0xa9: {  	[dreg:$0x3] =	wrdreg s5  }
0xaa: {  	[dreg:$0x4] =	wrdreg $0xC0  }
0xab: {  	_ =	task [dreg:s7], $0x5FFFF  }
0xac: {  	[dreg:$0x1] =	wrdreg $0xFFFFFFFF  }
0xad: {  	[dreg:$0x0] =	wrdreg $0x60  }
0xae: {  	[dreg:$0x2] =	wrdreg s24  }
0xaf: {  	[dreg:$0x3] =	wrdreg s2  }
0xb0: {  	[dreg:$0x4] =	wrdreg $0x42000  }
0xb1: {  	[dreg:$0x5] =	wrdreg $0xA  }
0xb2: {  	_ =	task.clear_ibuf [dreg:s7], $0x6FFFF;
	_ =	strace $0x90000046  }
0xb3: {  	s29 =	simm.s32 $0xA;
	_ =	strace $0x80000048  }
0xb4: {  	_ =	swait.ge [sflag:s29], $0x1  }
0xb5: {  	[sflag:s29] =	ssyncadd.s32 $0xFFFFFFFF  }
0xb6: {  	_ =	strace $0x90000048  }
0xb7: {  	_ =	sfence  }
0xb8: {  	s30 =	sld [smem:$0x0];
	_ =	sdelay $0x2  }
0xb9: {  	s31 =	sshll.u32 s1, $0xD;
	s1 =	sshrl.u32 s1, $0x2  }
0xba: {  	s3 =	sand.u32 $0x4000, s31;
	s1 =	sadd.s32 s1, s30  }
0xbb: {  	s0 =	sor.u32 s3, s0;
	s1 =	sshll.u32 s1, $0x11  }
0xbc: {  	s0 =	sor.u32 s1, s0  }
0xbd: {  	s0 =	sadd.s32 $0x8F2B, s0  }
0xbe: {  	[sflag:s0] =	ssyncadd.remote.s32 $0x1  }
0xbf: {  	_ =	sfence.sel $0xFFFF  }
0xc0: {  	[dreg:$0x0] =	wrdreg $0xFFFFFFFF;
	(pc) =	sbr.abs _section_cstart, $3  }
0xc1: {  	[dreg:$0x1] =	wrdreg $0xFFFFFFFF  }
0xc2: {  	_ =	task.clear_ibuf [dreg:s7], $0x2FFFF;
	_ =	strace $0x9FFFFFFF  }
0xc3: {  	(tm) =	ssettm $0x7FFFFFFF  }
tec
execute0_lowered:
.L_overlay_start_1:
0x0: {  	(tag) =	ssettag $0x1  }
0x1: {  	s6 =	rddreg [dreg:$0x0]  }
0x2: {  	s1 =	rddreg [dreg:$0x1];
	s0 =	srdreg.scid  }
0x3: {  	s3 =	rddreg [dreg:$0x2];
	s2 =	stileid.u32  }
0x4: {  	s4 =	simm.s32 $0x0;
	s14 =	simm.s32 $0x80;
	s8 =	smul.u32 $0x2780, s2  }
0x5: {  	s15 =	simm.s32 $0x180;
	s16 =	simm.s32 $0x1;
	s29 =	smul.u32 $0x4F000, s2  }
0x6: {  	s5 =	sand.u32 $0x1, s0;
	s0 =	rddreg [dreg:$0x3];
	s12 =	smul.u32 $0xA00, s2  }
0x7: {  	s17 =	simm.s32 $0x0;
	[smem:$0x7FF] =	sst s4;
	s7 =	smul.u32 $0xA000, s5  }
0x8: {  	s11 =	sshll.u32 s2, $0x6;
	s9 =	smul.u32 $0x27800, s5;
	s28 =	ssub.s32 $0x2, s5  }
0x9: {  	_ =	strace $0x80000047;
	s5 =	sadd.s32 $0x16200, s6;
	s30 =	sshrl.u32 s28, $0x1  }
0xa: {  	s10 =	sadd.s32 s7, s6;
	s26 =	sadd.s32 s8, s9;
	s9 =	sshrl.u32 s29, $0x2  }
0xb: {  	s8 =	ssub.s32 s28, s30;
	s7 =	sadd.s32 s26, s6;
	s13 =	sadd.s32 s9, s3  }
0xc: {  	s6 =	sor.u32 $0x1C02, s11;
	s8 =	smax.u32 s8, $0x1;
	s31 =	sadd.s32 s12, s10  }
0xd: {  	s11 =	simm.s32 $0x2;
	s12 =	simm.s32 $0x200;
	s7 =	sadd.s32 $0x16A00, s7  }
0xe: {  	s9 =	sadd.s32 $0x2200, s31;
	s10 =	sshrl.u32 s13, $0x3;
	s13 =	simm.s32 $0x100  }
.LBB2_1:
0xf: {  	[spmem:s10], [sflag:s6] =	dma.local [hbm:s1], $0x2780  }
0x10: {  	_ =	swait.ge [sflag:s11], $0x2780  }
0x11: {  	[sflag:s11] =	ssyncset.done $0x0  }
0x12: {  	[sflag:s11] =	ssyncadd.s32 $0xFFFFD880  }
0x13: {  	[tilespmem:s12], [sflag:$0x2] =	stream.linear.gather [hbm4b:s5+s4], $0x4000, $0x38;
	[tilespmem:$0x17E00] =	vst v63  }
0x14: {  	_ =	swait.ge [sflag:s11], $0x4000  }
0x15: {  	[sflag:s11] =	ssyncset.done $0x0  }
0x16: {  	[sflag:s11] =	ssyncadd.s32 $0xFFFFC000  }
0x17: {  	s18 =	sadd.s32 $0x0, s9;
	[bflag:$0x0] =	sbarrier.arrive $0xFFFF  }
0x18: {  	[tilespmem:s4], [sflag:$0x2] =	stream.linear.gather [hbm4b:s18+s4], $0x100, $0x38;
	[tilespmem:$0x17E00] =	vst v63  }
0x19: {  	_ =	swait.ge [sflag:s11], $0x100  }
0x1a: {  	[sflag:s11] =	ssyncset.done $0x0  }
0x1b: {  	s18 =	sadd.s32 $0x20, s18;
	[sflag:s11] =	ssyncadd.s32 $0xFFFFFF00  }
0x1c: {  	[tilespmem:s13], [sflag:$0x2] =	stream.linear.gather [hbm4b:s18+s4], $0x100, $0x38;
	[tilespmem:$0x17E00] =	vst v63  }
0x1d: {  	_ =	swait.ge [sflag:s11], $0x100  }
0x1e: {  	[sflag:s11] =	ssyncset.done $0x0  }
0x1f: {  	[sflag:s11] =	ssyncadd.s32 $0xFFFFFF00  }
0x20: {  	[spmem:s3] =	stream.indirect.scatter.add.f32 [tilespmem:s12], [sflag:$0x1], $0x80, s14, s14, $0xb8;
	[tilespmem:$0x17E00] =	vst v63  }
0x21: {  	_ = 	snop  }
0x22: {  	[spmem:s3] =	stream.indirect.scatter.add.f32 [tilespmem:s12], [sflag:$0x1], $0x80, s15, s14, $0xb8;
	[tilespmem:$0x17E00] =	vst v63  }
0x23: {  	_ =	swait.ge [sflag:s16], $0x4000  }
0x24: {  	[sflag:s16] =	ssyncset.done $0x0  }
0x25: {  	[sflag:s16] =	ssyncadd.s32 $0xFFFFC000  }
0x26: {  	_ =	swait.ge [sflag:s16], $0x4000  }
0x27: {  	s19 =	simm.s32 $0x80;
	s18 =	simm.s32 $0x40;
	[sflag:s16] =	ssyncset.done $0x0  }
.LBB2_2:
0x28: {  	s20 =	sadd.s32 s18, s9  }
0x29: {  	[sflag:s16] =	ssyncadd.s32 $0xFFFFC000;
	s18 =	smov.u32 s19;
	s21 =	sadd.s32 $0x40, s19  }
0x2a: {  	[tilespmem:s4], [sflag:$0x2] =	stream.linear.gather [hbm4b:s20+s4], $0x100, $0x38;
	[tilespmem:$0x17E00] =	vst v63  }
0x2b: {  	p0 =	sne.s32 s19, $0x9C0;
	_ =	swait.ge [sflag:s11], $0x100  }
0x2c: {  	[sflag:s11] =	ssyncset.done $0x0  }
0x2d: {  	s19 =	sadd.s32 $0x20, s20;
	[sflag:s11] =	ssyncadd.s32 $0xFFFFFF00  }
0x2e: {  	[tilespmem:s13], [sflag:$0x2] =	stream.linear.gather [hbm4b:s19+s4], $0x100, $0x38;
	[tilespmem:$0x17E00] =	vst v63  }
0x2f: {  	_ =	swait.ge [sflag:s11], $0x100  }
0x30: {  	[sflag:s11] =	ssyncset.done $0x0  }
0x31: {  	[sflag:s11] =	ssyncadd.s32 $0xFFFFFF00  }
0x32: {  	[spmem:s3] =	stream.indirect.scatter.add.f32 [tilespmem:s12], [sflag:$0x1], $0x80, s14, s14, $0xb8;
	[tilespmem:$0x17E00] =	vst v63  }
0x33: {  	_ = 	snop  }
0x34: {  	[spmem:s3] =	stream.indirect.scatter.add.f32 [tilespmem:s12], [sflag:$0x1], $0x80, s15, s14, $0xb8;
	[tilespmem:$0x17E00] =	vst v63  }
.Ltmp0:
0x35: {  	_ =	swait.ge [sflag:s16], $0x4000;
	(pc) =	sbr.rel @p0 .LBB2_2-.Ltmp0, $4  }
0x36: {  	[sflag:s16] =	ssyncset.done $0x0  }
0x37: {  	[sflag:s16] =	ssyncadd.s32 $0xFFFFC000  }
0x38: {  	_ =	swait.ge [sflag:s16], $0x4000  }
0x39: {  	s19 =	smov.u32 s21;
	[sflag:s16] =	ssyncset.done $0x0  }
0x3a: {  	s18 =	sadd.s32 s18, s9;
	[sflag:s16] =	ssyncadd.s32 $0xFFFFC000  }
0x3b: {  	[tilespmem:s4], [sflag:$0x2] =	stream.linear.gather [hbm4b:s18+s4], $0x100, $0x38;
	[tilespmem:$0x17E00] =	vst v63  }
0x3c: {  	_ =	swait.ge [sflag:s11], $0x100  }
0x3d: {  	[sflag:s11] =	ssyncset.done $0x0  }
0x3e: {  	s18 =	sadd.s32 $0x20, s18;
	[sflag:s11] =	ssyncadd.s32 $0xFFFFFF00  }
0x3f: {  	[tilespmem:s13], [sflag:$0x2] =	stream.linear.gather [hbm4b:s18+s4], $0x100, $0x38;
	[tilespmem:$0x17E00] =	vst v63  }
0x40: {  	_ =	swait.ge [sflag:s11], $0x100  }
0x41: {  	[sflag:s11] =	ssyncset.done $0x0  }
0x42: {  	[sflag:s11] =	ssyncadd.s32 $0xFFFFFF00  }
0x43: {  	[spmem:s3] =	stream.indirect.scatter.add.f32 [tilespmem:s12], [sflag:$0x1], $0x80, s14, s14, $0xb8;
	[tilespmem:$0x17E00] =	vst v63  }
0x44: {  	_ = 	snop  }
0x45: {  	[spmem:s3] =	stream.indirect.scatter.add.f32 [tilespmem:s12], [sflag:$0x1], $0x80, s15, s14, $0xb8;
	[tilespmem:$0x17E00] =	vst v63  }
0x46: {  	_ =	swait.ge [sflag:s16], $0x4000  }
0x47: {  	[sflag:s16] =	ssyncset.done $0x0  }
0x48: {  	[sflag:s16] =	ssyncadd.s32 $0xFFFFC000  }
0x49: {  	_ =	swait.ge [sflag:s16], $0x4000  }
0x4a: {  	s17 =	sadd.s32 $0x1, s17;
	[sflag:s16] =	ssyncset.done $0x0  }
0x4b: {  	p0 =	sne.s32 s17, s8;
	[sflag:s16] =	ssyncadd.s32 $0xFFFFC000  }
.Ltmp1:
0x4c: {  	[bflag:$0x0] =	sbarrier.arrive $0xFFFF;
	(pc) =	sbr.rel @p0 .LBB2_1-.Ltmp1, $4  }
0x4d: {  	[hbm:s7], [sflag:s6] =	dma.local [spmem:s10], $0x2780  }
0x4e: {  	_ =	swait.ge [sflag:s11], $0x2780  }
0x4f: {  	[sflag:s11] =	ssyncset.done $0x0  }
0x50: {  	[sflag:s11] =	ssyncadd.s32 $0xFFFFD880  }
0x51: {  	_ =	sfence.sel $0x180000  }
0x52: {  	[bflag:$0x0] =	sbarrier.arrive $0xFFFF  }
0x53: {  	p0 =	sne.s32 s2, $0x0;
	_ =	strace $0x90000047  }
0x54: {  	s0 =	sadd.s32 @!p0 $0x100000, s0;
	[bflag:$0x2] =	sbarrier.arrive $0xFFFF  }
0x55: {  	[sflag:s0] =	ssyncadd.tile.s32 @!p0 $0x1;
	_ =	shalt  }
.Lfunc_end2:
_tile_overlayer_lowered:
.L_overlay_start_2:
0x56: {  	(tag) =	ssettag $0x2  }
0x57: {  	s0 =	rddreg [dreg:$0x0];
	s2 =	stileid.u32  }
0x58: {  	s1 =	rddreg [dreg:$0x1];
	p0 =	sne.s32 s2, $0x0  }
0x59: {  	s3 =	rddreg [dreg:$0x2];
	[bflag:$0x3] =	sbarrier.arrive $0xFFFF;
	s2 =	simm.s32 @!p0 $0x1C02  }
0x5a: {  	[timem:s3], [sflag:s2] =	dma.local @!p0 [hbm:s0], s1  }
0x5b: {  	s0 =	simm.s32 @!p0 $0x2  }
0x5c: {  	_ =	swait.ge @!p0 [sflag:s0], s1  }
0x5d: {  	s1 =	ssub.s32 @!p0 $0x0, s1;
	[sflag:s0] =	ssyncset.done @!p0 $0x0  }
0x5e: {  	[sflag:s0] =	ssyncadd.s32 @!p0 s1  }
0x5f: {  	[bflag:$0x3] =	sbarrier.arrive $0xFFFF  }
0x60: {  	_ =	shalt  }

// kernel: kernel.13.cloned.1.call-start
scs
__scs_entry_jumppad:
0x0: {  	(pc) =	sbr.rel $0x88, $3  }
0x1: {  	(tag) =	ssettag $0x0;
	lr =	simm.s32 $0x1  }
0x2: {  	[smem:$0x3F95] =	sst lr;
	_ =	strace $0xD0000000  }
0x3: {  	_ = 	snop  }
0x4: {  	_ = 	snop  }
0x5: {  	_ = 	snop  }
0x6: {  	_ = 	snop  }
0x7: {  	_ = 	snop  }
__scs_overlays_trampoline_lowered:
0x8: {  	[smem:$0x3FA4] =	sst s0  }
0x9: {  	[smem:$0x3FA5] =	sst s1  }
0xa: {  	[smem:$0x3FA6] =	sst s2  }
0xb: {  	[smem:$0x3FA7] =	sst s3  }
0xc: {  	[smem:$0x3FA8] =	sst s4  }
0xd: {  	[smem:$0x3FA9] =	sst s5  }
0xe: {  	[smem:$0x3FAA] =	sst s6  }
0xf: {  	[smem:$0x3FAB] =	sst s7  }
0x10: {  	[smem:$0x3FAC] =	sst s8  }
0x11: {  	[smem:$0x3FAD] =	sst s9;
	s0 =	simm.s32 @!p0 $0x0  }
0x12: {  	s1 =	sld [smem:$0x3F93];
	s0 =	simm.s32 @p0 $0x1  }
0x13: {  	[smem:$0x3FAE] =	sst s0;
	s0 =	simm.s32 @!p1 $0x0  }
0x14: {  	s2 =	sld [smem:$0x3F92];
	s0 =	simm.s32 @p1 $0x1  }
0x15: {  	[smem:$0x3FAF] =	sst s0;
	s0 =	simm.s32 @!p2 $0x0  }
0x16: {  	s3 =	sld [smem:$0x3FDB];
	s0 =	simm.s32 @p2 $0x1  }
0x17: {  	s4 =	simm.s32 $0x1BF5;
	[smem:$0x3FB1] =	sst s0  }
0x18: {  	s0 =	sld [smem:$0x3F94];
	_ =	swait.ge [sflag:s4], $0x0  }
0x19: {  	s7 =	sld [smem:$0x3F95]  }
0x1a: {  	s8 =	sadd.s32 $0xFFFFE003, lr  }
0x1b: {  	s9 =	sadd.s32 $0xFFFFFEF7, lr;
	s5 =	simm.s32 $0xFFFFFFFF;
	p2 =	slt.u32 s8, $0xFFFFF086  }
0x1c: {  	p1 =	slt.u32 s9, $0xF7A;
	s5 =	simm.s32 @!p2 $0x0  }
0x1d: {  	s5 =	simm.s32 @p1 $0x1;
	p0 =	seq.s32 s7, s2  }
0x1e: {  	s7 =	smul.u32 @!p0 $0xF7A, s2;
	p2 =	seq.s32 @!p0 s5, $0x0  }
0x1f: {  	s9 =	smul.u32 $0xF7A, s1;
	s8 =	simm.s32 @!p0 $0x1BF5;
	p2 =	por !p2, p0  }
0x20: {  	[sflag:s8] =	ssyncset.s32 @!p0 $0xFFFFF086;
	s6 =	sadd.s32 @!p0 s3, s7;
	s7 =	simm.s32 @!p0 $0x108  }
0x21: {  	s3 =	sadd.s32 s3, s9;
	s6 =	sadd.s32 @!p0 $0x88, s6;
	s7 =	simm.s32 @p2 $0x1082  }
0x22: {  	[simem:s7], [sflag:s8] =	dma.local @!p0 [hbm:s6], $0xF7A  }
0x23: {  	s9 =	sor.u32 $0xD0000000, s2;
	s6 =	simm.s32 $0x108;
	_ =	swait.ge @!p0 [sflag:s8], $0x0  }
0x24: {  	s3 =	sadd.s32 $0x88, s3;
	s6 =	simm.s32 @!p1 $0x1082;
	[sflag:s4] =	ssyncset.s32 $0xFFFFF086  }
0x25: {  	[simem:s6], [sflag:s4] =	dma.local [hbm:s3], $0xF7A  }
0x26: {  	[smem:$0x3F95] =	sst s1;
	(tag) =	ssettag s2;
	_ =	strace s9  }
0x27: {  	s1 =	sld [smem:$0x3FA5]  }
0x28: {  	s2 =	sld [smem:$0x3FA6]  }
0x29: {  	s4 =	sld [smem:$0x3FA8]  }
0x2a: {  	p0 =	seq.s32 s5, $0x0;
	s5 =	sld [smem:$0x3FA9]  }
0x2b: {  	s6 =	sld [smem:$0x3FAA]  }
0x2c: {  	s7 =	sld [smem:$0x3FAB]  }
0x2d: {  	s3 =	simm.s32 $0x108;
	s8 =	sld [smem:$0x3FAC]  }
0x2e: {  	s3 =	simm.s32 @!p0 $0x1082;
	s9 =	sld [smem:$0x3FAD]  }
0x2f: {  	lr =	sadd.s32 s0, s3;
	s0 =	sld [smem:$0x3FA4]  }
0x30: {  	s3 =	sld [smem:$0x3FA7]  }
0x31: {  	[smem:$0x3FB0] =	sst s10  }
0x32: {  	s10 =	sld [smem:$0x3FAE];
	_ =	sdelay $0x3  }
0x33: {  	p0 =	seq.s32 s10, $0x1;
	s10 =	sld [smem:$0x3FB0];
	_ =	sdelay $0x3  }
0x34: {  	[smem:$0x3FB0] =	sst s10  }
0x35: {  	s10 =	sld [smem:$0x3FAF];
	_ =	sdelay $0x3  }
0x36: {  	p1 =	seq.s32 s10, $0x1;
	s10 =	sld [smem:$0x3FB0];
	_ =	sdelay $0x3  }
0x37: {  	[smem:$0x3FB0] =	sst s10  }
0x38: {  	s10 =	sld [smem:$0x3FB1]  }
0x39: {  	_ = 	snop;
	(pc) =	sbr.ind lr, $3  }
0x3a: {  	_ = 	snop  }
0x3b: {  	_ = 	snop  }
0x3c: {  	p2 =	seq.s32 s10, $0x1;
	s10 =	sld [smem:$0x3FB0]  }
0x3d: {  	_ =	shalt  }
0x3e: {  	_ =	shalt  }
0x3f: {  	_ =	shalt  }
0x40: {  	_ =	shalt  }
0x41: {  	_ =	shalt  }
0x42: {  	_ =	shalt  }
0x43: {  	_ =	shalt  }
0x44: {  	_ =	shalt  }
0x45: {  	_ =	shalt  }
0x46: {  	_ =	shalt  }
0x47: {  	_ =	shalt  }
0x48: {  	_ =	shalt  }
0x49: {  	_ =	shalt  }
0x4a: {  	_ =	shalt  }
0x4b: {  	_ =	shalt  }
0x4c: {  	_ =	shalt  }
0x4d: {  	_ =	shalt  }
0x4e: {  	_ =	shalt  }
0x4f: {  	_ =	shalt  }
0x50: {  	_ =	shalt  }
0x51: {  	_ =	shalt  }
0x52: {  	_ =	shalt  }
0x53: {  	_ =	shalt  }
0x54: {  	_ =	shalt  }
0x55: {  	_ =	shalt  }
0x56: {  	_ =	shalt  }
0x57: {  	_ =	shalt  }
0x58: {  	_ =	shalt  }
0x59: {  	_ =	shalt  }
0x5a: {  	_ =	shalt  }
0x5b: {  	_ =	shalt  }
0x5c: {  	_ =	shalt  }
0x5d: {  	_ =	shalt  }
0x5e: {  	_ =	shalt  }
0x5f: {  	_ =	shalt  }
0x60: {  	_ =	shalt  }
0x61: {  	_ =	shalt  }
0x62: {  	_ =	shalt  }
0x63: {  	_ =	shalt  }
0x64: {  	_ =	shalt  }
0x65: {  	_ =	shalt  }
0x66: {  	_ =	shalt  }
0x67: {  	_ =	shalt  }
0x68: {  	_ =	shalt  }
0x69: {  	_ =	shalt  }
0x6a: {  	_ =	shalt  }
0x6b: {  	_ =	shalt  }
0x6c: {  	_ =	shalt  }
0x6d: {  	_ =	shalt  }
0x6e: {  	_ =	shalt  }
0x6f: {  	_ =	shalt  }
0x70: {  	_ =	shalt  }
0x71: {  	_ =	shalt  }
0x72: {  	_ =	shalt  }
0x73: {  	_ =	shalt  }
0x74: {  	_ =	shalt  }
0x75: {  	_ =	shalt  }
0x76: {  	_ =	shalt  }
0x77: {  	_ =	shalt  }
0x78: {  	_ =	shalt  }
0x79: {  	_ =	shalt  }
0x7a: {  	_ =	shalt  }
0x7b: {  	_ =	shalt  }
0x7c: {  	_ =	shalt  }
0x7d: {  	_ =	shalt  }
0x7e: {  	_ =	shalt  }
0x7f: {  	_ =	shalt  }
0x80: {  	_ =	shalt  }
0x81: {  	_ =	shalt  }
0x82: {  	_ =	shalt  }
0x83: {  	_ =	shalt  }
0x84: {  	_ =	shalt  }
0x85: {  	_ =	shalt  }
0x86: {  	_ =	shalt  }
0x87: {  	_ =	shalt  }
.Lfunc_end0:
.L_simem_size_0:
called_computation.2_lowered:
.L_overlay_start_0:
0x88: {  	s2 =	sld [smem:$0x3FD9]  }
0x89: {  	s3 =	sld [smem:$0x3FFE];
	_ =	sdelay $0x1  }
0x8a: {  	s1 =	srdreg.scid  }
0x8b: {  	s0 =	sand.u32 $0x1, s1  }
0x8c: {  	s17 =	sshll.u32 s0, $0xA;
	s2 =	sadd.s32 s3, s2  }
0x8d: {  	s2 =	sadd.s32 s2, s17  }
0x8e: {  	[smem:$0x3FBC] =	sst s2  }
0x8f: {  	_ = 	snop  }
0x90: {  	s2 =	sld [smem:$0x3FD0];
	(tm) =	ssettm $0x1  }
0x91: {  	s18 =	sld [smem:$0x3FFB];
	_ =	sdelay $0x3  }
0x92: {  	_ =	strace s18  }
0x93: {  	s3 =	sld [smem:$0x3FFC];
	_ =	sdelay $0x3  }
0x94: {  	_ =	strace s3  }
0x95: {  	s3 =	sld [smem:$0x3FFD];
	_ =	sdelay $0x3  }
0x96: {  	_ =	strace s3  }
0x97: {  	_ =	strace $0x8FFFFFFF  }
0x98: {  	s19 =	sld [smem:$0x3FDB];
	_ =	sdelay $0x1  }
0x99: {  	s4 =	simm.s32 $_scs_section_size  }
0x9a: {  	s5 =	simm.s32 $_size__tile_overlayer_lowered;
	s6 =	simm.s32 $_tile_overlayer_lowered  }
0x9b: {  	s22 =	simm.s32 $0x1BFF;
	s21 =	sshll.u32 s6, $0x1;
	s3 =	sadd.s32 s4, s19  }
0x9c: {  	s7 =	simm.s32 $0x0;
	s20 =	sshll.u32 s5, $0x1;
	s5 =	sadd.s32 s21, s3  }
0x9d: {  	[timem:s7], [sflag:s22] =	dma.local [hbm:s5], s20  }
0x9e: {  	_ =	swait.ge [sflag:s22], s20  }
0x9f: {  	s4 =	ssub.s32 $0x0, s20;
	[sflag:s22] =	ssyncset.done $0x0  }
0xa0: {  	[sflag:s22] =	ssyncadd.s32 s4;
	_ =	sdelay $0x1  }
0xa1: {  	s23 =	simm.s32 $0x1B8B  }
0xa2: {  	_ =	swait.ge [sflag:s23], $0x1  }
0xa3: {  	[sflag:s23] =	ssyncset.done $0x0  }
0xa4: {  	s25 =	simm.s32 $0x1B8E;
	s24 =	sld [smem:$0x3FFE];
	[sflag:s23] =	ssyncadd.s32 $0xFFFFFFFF  }
0xa5: {  	s26 =	simm.s32 $execute0_lowered;
	[smem:$0x3FD2] =	sst s25  }
0xa6: {  	s5 =	sshll.u32 s26, $0x1;
	_ =	strace $0x8000004C;
	[dreg:$0x1] =	wrdreg $0xFFFFFFFF  }
0xa7: {  	s28 =	simm.s32 $_size_execute0_lowered;
	s3 =	sadd.s32 s3, s5;
	[dreg:$0x0] =	wrdreg $0x0  }
0xa8: {  	s5 =	sshll.u32 s28, $0x1;
	[dreg:$0x2] =	wrdreg s3  }
0xa9: {  	[dreg:$0x3] =	wrdreg s5  }
0xaa: {  	[dreg:$0x4] =	wrdreg $0xC0  }
0xab: {  	_ =	task [dreg:s7], $0x5FFFF  }
0xac: {  	[dreg:$0x1] =	wrdreg $0xFFFFFFFF  }
0xad: {  	[dreg:$0x0] =	wrdreg $0x60  }
0xae: {  	[dreg:$0x2] =	wrdreg s24  }
0xaf: {  	[dreg:$0x3] =	wrdreg s2  }
0xb0: {  	[dreg:$0x4] =	wrdreg $0x82000  }
0xb1: {  	[dreg:$0x5] =	wrdreg $0x9  }
0xb2: {  	_ =	task.clear_ibuf [dreg:s7], $0x6FFFF;
	_ =	strace $0x9000004C  }
0xb3: {  	s29 =	simm.s32 $0x9;
	_ =	strace $0x8000004E  }
0xb4: {  	_ =	swait.ge [sflag:s29], $0x1  }
0xb5: {  	[sflag:s29] =	ssyncadd.s32 $0xFFFFFFFF  }
0xb6: {  	_ =	strace $0x9000004E  }
0xb7: {  	_ =	sfence  }
0xb8: {  	s30 =	sld [smem:$0x0];
	_ =	sdelay $0x2  }
0xb9: {  	s31 =	sshll.u32 s1, $0xD;
	s1 =	sshrl.u32 s1, $0x2  }
0xba: {  	s3 =	sand.u32 $0x4000, s31;
	s1 =	sadd.s32 s1, s30  }
0xbb: {  	s0 =	sor.u32 s3, s0;
	s1 =	sshll.u32 s1, $0x11  }
0xbc: {  	s0 =	sor.u32 s1, s0  }
0xbd: {  	s0 =	sadd.s32 $0x8F2B, s0  }
0xbe: {  	[sflag:s0] =	ssyncadd.remote.s32 $0x1  }
0xbf: {  	_ =	sfence.sel $0xFFFF  }
0xc0: {  	[dreg:$0x0] =	wrdreg $0xFFFFFFFF;
	(pc) =	sbr.abs _section_cstart, $3  }
0xc1: {  	[dreg:$0x1] =	wrdreg $0xFFFFFFFF  }
0xc2: {  	_ =	task.clear_ibuf [dreg:s7], $0x2FFFF;
	_ =	strace $0x9FFFFFFF  }
0xc3: {  	(tm) =	ssettm $0x7FFFFFFF  }
tec
execute0_lowered:
.L_overlay_start_1:
0x0: {  	(tag) =	ssettag $0x1  }
0x1: {  	s6 =	rddreg [dreg:$0x0]  }
0x2: {  	s2 =	rddreg [dreg:$0x1]  }
0x3: {  	s3 =	rddreg [dreg:$0x2]  }
0x4: {  	s0 =	rddreg [dreg:$0x3];
	s5 =	srdreg.scid  }
0x5: {  	s1 =	stileid.u32;
	s4 =	simm.s32 $0x0;
	s15 =	simm.s32 $0x4200  }
0x6: {  	s16 =	simm.s32 $0x1;
	s17 =	simm.s32 $0x2;
	s8 =	smul.u32 $0x2780, s1  }
0x7: {  	s18 =	simm.s32 $0x180;
	s19 =	simm.s32 $0x3;
	s29 =	smul.u32 $0x4F000, s1  }
0x8: {  	s20 =	simm.s32 $0x0;
	s7 =	sand.u32 $0x1, s5;
	s12 =	smul.u32 $0xA00, s1  }
0x9: {  	[smem:$0x7FF] =	sst s4;
	s5 =	sadd.s32 $0x16200, s6;
	s9 =	smul.u32 $0x27800, s7  }
0xa: {  	s11 =	sshll.u32 s1, $0x6;
	s10 =	smul.u32 $0xA000, s7;
	s7 =	ssub.s32 $0x2, s7  }
0xb: {  	_ =	strace $0x8000004D;
	s30 =	sshrl.u32 s7, $0x1;
	s8 =	sadd.s32 s8, s9  }
0xc: {  	s10 =	sadd.s32 s10, s6;
	s9 =	sshrl.u32 s29, $0x2;
	s13 =	ssub.s32 s7, s30  }
0xd: {  	s8 =	sadd.s32 s8, s6;
	s14 =	sadd.s32 s9, s3;
	s6 =	sor.u32 $0x1C04, s11  }
0xe: {  	s31 =	sadd.s32 s12, s10;
	s11 =	simm.s32 $0x4;
	s12 =	simm.s32 $0x100  }
0xf: {  	s7 =	sadd.s32 $0x3D400, s8;
	s8 =	smax.u32 s13, $0x1;
	s9 =	sadd.s32 $0x2200, s31  }
0x10: {  	s10 =	sshrl.u32 s14, $0x3;
	s13 =	simm.s32 $0x80;
	s14 =	simm.s32 $0x200  }
.LBB2_1:
0x11: {  	[spmem:s10], [sflag:s6] =	dma.local [hbm:s2], $0x2780  }
0x12: {  	_ =	swait.ge [sflag:s11], $0x2780  }
0x13: {  	[sflag:s11] =	ssyncset.done $0x0  }
0x14: {  	[sflag:s11] =	ssyncadd.s32 $0xFFFFD880  }
0x15: {  	s21 =	sadd.s32 $0x0, s9;
	[bflag:$0x0] =	sbarrier.arrive $0xFFFF  }
0x16: {  	[tilespmem:s4], [sflag:$0x4] =	stream.linear.gather [hbm4b:s21+s4], $0x100, $0x38;
	[tilespmem:$0x1BE00] =	vst v63  }
0x17: {  	_ =	swait.ge [sflag:s11], $0x100  }
0x18: {  	[sflag:s11] =	ssyncset.done $0x0  }
0x19: {  	s21 =	sadd.s32 $0x20, s21;
	[sflag:s11] =	ssyncadd.s32 $0xFFFFFF00  }
0x1a: {  	[tilespmem:s12], [sflag:$0x4] =	stream.linear.gather [hbm4b:s21+s4], $0x100, $0x38;
	[tilespmem:$0x1BE00] =	vst v63  }
0x1b: {  	_ =	swait.ge [sflag:s11], $0x100  }
0x1c: {  	[sflag:s11] =	ssyncset.done $0x0  }
0x1d: {  	[sflag:s11] =	ssyncadd.s32 $0xFFFFFF00  }
0x1e: {  	[tilespmem:s14], [sflag:$0x1] =	stream.indirect.gather [hbm4b:s5+s13], $0x80, s4, s13, $0xb8;
	[tilespmem:$0x1BE00] =	vst v63  }
0x1f: {  	_ = 	snop  }
0x20: {  	[tilespmem:s15], [sflag:$0x2] =	stream.indirect.gather [hbm4b:s5+s13], $0x80, s12, s13, $0xb8;
	[tilespmem:$0x1BE00] =	vst v63  }
0x21: {  	_ =	swait.ge [sflag:s16], $0x4000  }
0x22: {  	[sflag:s16] =	ssyncset.done $0x0  }
0x23: {  	[sflag:s16] =	ssyncadd.s32 $0xFFFFC000  }
0x24: {  	[spmem:s3] =	stream.indirect.scatter.add.f32 [tilespmem:s14], [sflag:$0x3], $0x80, s13, s13, $0xb8;
	[tilespmem:$0x1BE00] =	vst v63  }
0x25: {  	_ =	swait.ge [sflag:s17], $0x4000  }
0x26: {  	[sflag:s17] =	ssyncset.done $0x0  }
0x27: {  	[sflag:s17] =	ssyncadd.s32 $0xFFFFC000  }
0x28: {  	[spmem:s3] =	stream.indirect.scatter.add.f32 [tilespmem:s15], [sflag:$0x3], $0x80, s18, s13, $0xb8;
	[tilespmem:$0x1BE00] =	vst v63  }
0x29: {  	_ =	swait.ge [sflag:s19], $0x4000  }
0x2a: {  	[sflag:s19] =	ssyncset.done $0x0  }
0x2b: {  	[sflag:s19] =	ssyncadd.s32 $0xFFFFC000  }
0x2c: {  	_ =	swait.ge [sflag:s19], $0x4000  }
0x2d: {  	s22 =	simm.s32 $0x80;
	s21 =	simm.s32 $0x40;
	[sflag:s19] =	ssyncset.done $0x0  }
.LBB2_2:
0x2e: {  	s23 =	sadd.s32 s21, s9  }
0x2f: {  	[sflag:s19] =	ssyncadd.s32 $0xFFFFC000;
	s21 =	smov.u32 s22;
	s24 =	sadd.s32 $0x40, s22  }
0x30: {  	[tilespmem:s4], [sflag:$0x4] =	stream.linear.gather [hbm4b:s23+s4], $0x100, $0x38;
	[tilespmem:$0x1BE00] =	vst v63  }
0x31: {  	p0 =	sne.s32 s22, $0x9C0;
	_ =	swait.ge [sflag:s11], $0x100  }
0x32: {  	[sflag:s11] =	ssyncset.done $0x0  }
0x33: {  	s22 =	sadd.s32 $0x20, s23;
	[sflag:s11] =	ssyncadd.s32 $0xFFFFFF00  }
0x34: {  	[tilespmem:s12], [sflag:$0x4] =	stream.linear.gather [hbm4b:s22+s4], $0x100, $0x38;
	[tilespmem:$0x1BE00] =	vst v63  }
0x35: {  	_ =	swait.ge [sflag:s11], $0x100  }
0x36: {  	[sflag:s11] =	ssyncset.done $0x0  }
0x37: {  	[sflag:s11] =	ssyncadd.s32 $0xFFFFFF00  }
0x38: {  	[tilespmem:s14], [sflag:$0x1] =	stream.indirect.gather [hbm4b:s5+s13], $0x80, s4, s13, $0xb8;
	[tilespmem:$0x1BE00] =	vst v63  }
0x39: {  	_ = 	snop  }
0x3a: {  	[tilespmem:s15], [sflag:$0x2] =	stream.indirect.gather [hbm4b:s5+s13], $0x80, s12, s13, $0xb8;
	[tilespmem:$0x1BE00] =	vst v63  }
0x3b: {  	_ =	swait.ge [sflag:s16], $0x4000  }
0x3c: {  	[sflag:s16] =	ssyncset.done $0x0  }
0x3d: {  	[sflag:s16] =	ssyncadd.s32 $0xFFFFC000  }
0x3e: {  	[spmem:s3] =	stream.indirect.scatter.add.f32 [tilespmem:s14], [sflag:$0x3], $0x80, s13, s13, $0xb8;
	[tilespmem:$0x1BE00] =	vst v63  }
0x3f: {  	_ =	swait.ge [sflag:s17], $0x4000  }
0x40: {  	[sflag:s17] =	ssyncset.done $0x0  }
0x41: {  	[sflag:s17] =	ssyncadd.s32 $0xFFFFC000  }
0x42: {  	[spmem:s3] =	stream.indirect.scatter.add.f32 [tilespmem:s15], [sflag:$0x3], $0x80, s18, s13, $0xb8;
	[tilespmem:$0x1BE00] =	vst v63  }
.Ltmp0:
0x43: {  	_ =	swait.ge [sflag:s19], $0x4000;
	(pc) =	sbr.rel @p0 .LBB2_2-.Ltmp0, $4  }
0x44: {  	[sflag:s19] =	ssyncset.done $0x0  }
0x45: {  	[sflag:s19] =	ssyncadd.s32 $0xFFFFC000  }
0x46: {  	_ =	swait.ge [sflag:s19], $0x4000  }
0x47: {  	s22 =	smov.u32 s24;
	[sflag:s19] =	ssyncset.done $0x0  }
0x48: {  	s21 =	sadd.s32 s21, s9;
	[sflag:s19] =	ssyncadd.s32 $0xFFFFC000  }
0x49: {  	[tilespmem:s4], [sflag:$0x4] =	stream.linear.gather [hbm4b:s21+s4], $0x100, $0x38;
	[tilespmem:$0x1BE00] =	vst v63  }
0x4a: {  	_ =	swait.ge [sflag:s11], $0x100  }
0x4b: {  	[sflag:s11] =	ssyncset.done $0x0  }
0x4c: {  	s21 =	sadd.s32 $0x20, s21;
	[sflag:s11] =	ssyncadd.s32 $0xFFFFFF00  }
0x4d: {  	[tilespmem:s12], [sflag:$0x4] =	stream.linear.gather [hbm4b:s21+s4], $0x100, $0x38;
	[tilespmem:$0x1BE00] =	vst v63  }
0x4e: {  	_ =	swait.ge [sflag:s11], $0x100  }
0x4f: {  	[sflag:s11] =	ssyncset.done $0x0  }
0x50: {  	[sflag:s11] =	ssyncadd.s32 $0xFFFFFF00  }
0x51: {  	[tilespmem:s14], [sflag:$0x1] =	stream.indirect.gather [hbm4b:s5+s13], $0x80, s4, s13, $0xb8;
	[tilespmem:$0x1BE00] =	vst v63  }
0x52: {  	_ = 	snop  }
0x53: {  	[tilespmem:s15], [sflag:$0x2] =	stream.indirect.gather [hbm4b:s5+s13], $0x80, s12, s13, $0xb8;
	[tilespmem:$0x1BE00] =	vst v63  }
0x54: {  	_ =	swait.ge [sflag:s16], $0x4000  }
0x55: {  	[sflag:s16] =	ssyncset.done $0x0  }
0x56: {  	[sflag:s16] =	ssyncadd.s32 $0xFFFFC000  }
0x57: {  	[spmem:s3] =	stream.indirect.scatter.add.f32 [tilespmem:s14], [sflag:$0x3], $0x80, s13, s13, $0xb8;
	[tilespmem:$0x1BE00] =	vst v63  }
0x58: {  	_ =	swait.ge [sflag:s17], $0x4000  }
0x59: {  	[sflag:s17] =	ssyncset.done $0x0  }
0x5a: {  	[sflag:s17] =	ssyncadd.s32 $0xFFFFC000  }
0x5b: {  	[spmem:s3] =	stream.indirect.scatter.add.f32 [tilespmem:s15], [sflag:$0x3], $0x80, s18, s13, $0xb8;
	[tilespmem:$0x1BE00] =	vst v63  }
0x5c: {  	_ =	swait.ge [sflag:s19], $0x4000  }
0x5d: {  	[sflag:s19] =	ssyncset.done $0x0  }
0x5e: {  	[sflag:s19] =	ssyncadd.s32 $0xFFFFC000  }
0x5f: {  	_ =	swait.ge [sflag:s19], $0x4000  }
0x60: {  	s20 =	sadd.s32 $0x1, s20;
	[sflag:s19] =	ssyncset.done $0x0  }
0x61: {  	p0 =	sne.s32 s20, s8;
	[sflag:s19] =	ssyncadd.s32 $0xFFFFC000  }
.Ltmp1:
0x62: {  	[bflag:$0x0] =	sbarrier.arrive $0xFFFF;
	(pc) =	sbr.rel @p0 .LBB2_1-.Ltmp1, $4  }
0x63: {  	[hbm:s7], [sflag:s6] =	dma.local [spmem:s10], $0x2780  }
0x64: {  	_ =	swait.ge [sflag:s11], $0x2780  }
0x65: {  	[sflag:s11] =	ssyncset.done $0x0  }
0x66: {  	[sflag:s11] =	ssyncadd.s32 $0xFFFFD880  }
0x67: {  	_ =	sfence.sel $0x180000  }
0x68: {  	[bflag:$0x0] =	sbarrier.arrive $0xFFFF  }
0x69: {  	p0 =	sne.s32 s1, $0x0;
	_ =	strace $0x9000004D  }
0x6a: {  	s0 =	sadd.s32 @!p0 $0x100000, s0;
	[bflag:$0x2] =	sbarrier.arrive $0xFFFF  }
0x6b: {  	[sflag:s0] =	ssyncadd.tile.s32 @!p0 $0x1;
	_ =	shalt  }
.Lfunc_end2:
_tile_overlayer_lowered:
.L_overlay_start_2:
0x6c: {  	(tag) =	ssettag $0x2  }
0x6d: {  	s0 =	rddreg [dreg:$0x0];
	s2 =	stileid.u32  }
0x6e: {  	s1 =	rddreg [dreg:$0x1];
	p0 =	sne.s32 s2, $0x0  }
0x6f: {  	s3 =	rddreg [dreg:$0x2];
	[bflag:$0x3] =	sbarrier.arrive $0xFFFF;
	s2 =	simm.s32 @!p0 $0x1C04  }
0x70: {  	[timem:s3], [sflag:s2] =	dma.local @!p0 [hbm:s0], s1  }
0x71: {  	s0 =	simm.s32 @!p0 $0x4  }
0x72: {  	_ =	swait.ge @!p0 [sflag:s0], s1  }
0x73: {  	s1 =	ssub.s32 @!p0 $0x0, s1;
	[sflag:s0] =	ssyncset.done @!p0 $0x0  }
0x74: {  	[sflag:s0] =	ssyncadd.s32 @!p0 s1  }
0x75: {  	[bflag:$0x3] =	sbarrier.arrive $0xFFFF  }
0x76: {  	_ =	shalt  }

// kernel: kernel.7.cloned.1.call-start
scs
__scs_entry_jumppad:
0x0: {  	(pc) =	sbr.rel $0x88, $3  }
0x1: {  	(tag) =	ssettag $0x0;
	lr =	simm.s32 $0x1  }
0x2: {  	[smem:$0x3F95] =	sst lr;
	_ =	strace $0xD0000000  }
0x3: {  	_ = 	snop  }
0x4: {  	_ = 	snop  }
0x5: {  	_ = 	snop  }
0x6: {  	_ = 	snop  }
0x7: {  	_ = 	snop  }
__scs_overlays_trampoline_lowered:
0x8: {  	[smem:$0x3FA4] =	sst s0  }
0x9: {  	[smem:$0x3FA5] =	sst s1  }
0xa: {  	[smem:$0x3FA6] =	sst s2  }
0xb: {  	[smem:$0x3FA7] =	sst s3  }
0xc: {  	[smem:$0x3FA8] =	sst s4  }
0xd: {  	[smem:$0x3FA9] =	sst s5  }
0xe: {  	[smem:$0x3FAA] =	sst s6  }
0xf: {  	[smem:$0x3FAB] =	sst s7  }
0x10: {  	[smem:$0x3FAC] =	sst s8  }
0x11: {  	[smem:$0x3FAD] =	sst s9;
	s0 =	simm.s32 @!p0 $0x0  }
0x12: {  	s1 =	sld [smem:$0x3F93];
	s0 =	simm.s32 @p0 $0x1  }
0x13: {  	[smem:$0x3FAE] =	sst s0;
	s0 =	simm.s32 @!p1 $0x0  }
0x14: {  	s2 =	sld [smem:$0x3F92];
	s0 =	simm.s32 @p1 $0x1  }
0x15: {  	[smem:$0x3FAF] =	sst s0;
	s0 =	simm.s32 @!p2 $0x0  }
0x16: {  	s3 =	sld [smem:$0x3FDB];
	s0 =	simm.s32 @p2 $0x1  }
0x17: {  	s4 =	simm.s32 $0x1BF5;
	[smem:$0x3FB1] =	sst s0  }
0x18: {  	s0 =	sld [smem:$0x3F94];
	_ =	swait.ge [sflag:s4], $0x0  }
0x19: {  	s7 =	sld [smem:$0x3F95]  }
0x1a: {  	s8 =	sadd.s32 $0xFFFFE003, lr  }
0x1b: {  	s9 =	sadd.s32 $0xFFFFFEF7, lr;
	s5 =	simm.s32 $0xFFFFFFFF;
	p2 =	slt.u32 s8, $0xFFFFF086  }
0x1c: {  	p1 =	slt.u32 s9, $0xF7A;
	s5 =	simm.s32 @!p2 $0x0  }
0x1d: {  	s5 =	simm.s32 @p1 $0x1;
	p0 =	seq.s32 s7, s2  }
0x1e: {  	s7 =	smul.u32 @!p0 $0xF7A, s2;
	p2 =	seq.s32 @!p0 s5, $0x0  }
0x1f: {  	s9 =	smul.u32 $0xF7A, s1;
	s8 =	simm.s32 @!p0 $0x1BF5;
	p2 =	por !p2, p0  }
0x20: {  	[sflag:s8] =	ssyncset.s32 @!p0 $0xFFFFF086;
	s6 =	sadd.s32 @!p0 s3, s7;
	s7 =	simm.s32 @!p0 $0x108  }
0x21: {  	s3 =	sadd.s32 s3, s9;
	s6 =	sadd.s32 @!p0 $0x88, s6;
	s7 =	simm.s32 @p2 $0x1082  }
0x22: {  	[simem:s7], [sflag:s8] =	dma.local @!p0 [hbm:s6], $0xF7A  }
0x23: {  	s9 =	sor.u32 $0xD0000000, s2;
	s6 =	simm.s32 $0x108;
	_ =	swait.ge @!p0 [sflag:s8], $0x0  }
0x24: {  	s3 =	sadd.s32 $0x88, s3;
	s6 =	simm.s32 @!p1 $0x1082;
	[sflag:s4] =	ssyncset.s32 $0xFFFFF086  }
0x25: {  	[simem:s6], [sflag:s4] =	dma.local [hbm:s3], $0xF7A  }
0x26: {  	[smem:$0x3F95] =	sst s1;
	(tag) =	ssettag s2;
	_ =	strace s9  }
0x27: {  	s1 =	sld [smem:$0x3FA5]  }
0x28: {  	s2 =	sld [smem:$0x3FA6]  }
0x29: {  	s4 =	sld [smem:$0x3FA8]  }
0x2a: {  	p0 =	seq.s32 s5, $0x0;
	s5 =	sld [smem:$0x3FA9]  }
0x2b: {  	s6 =	sld [smem:$0x3FAA]  }
0x2c: {  	s7 =	sld [smem:$0x3FAB]  }
0x2d: {  	s3 =	simm.s32 $0x108;
	s8 =	sld [smem:$0x3FAC]  }
0x2e: {  	s3 =	simm.s32 @!p0 $0x1082;
	s9 =	sld [smem:$0x3FAD]  }
0x2f: {  	lr =	sadd.s32 s0, s3;
	s0 =	sld [smem:$0x3FA4]  }
0x30: {  	s3 =	sld [smem:$0x3FA7]  }
0x31: {  	[smem:$0x3FB0] =	sst s10  }
0x32: {  	s10 =	sld [smem:$0x3FAE];
	_ =	sdelay $0x3  }
0x33: {  	p0 =	seq.s32 s10, $0x1;
	s10 =	sld [smem:$0x3FB0];
	_ =	sdelay $0x3  }
0x34: {  	[smem:$0x3FB0] =	sst s10  }
0x35: {  	s10 =	sld [smem:$0x3FAF];
	_ =	sdelay $0x3  }
0x36: {  	p1 =	seq.s32 s10, $0x1;
	s10 =	sld [smem:$0x3FB0];
	_ =	sdelay $0x3  }
0x37: {  	[smem:$0x3FB0] =	sst s10  }
0x38: {  	s10 =	sld [smem:$0x3FB1]  }
0x39: {  	_ = 	snop;
	(pc) =	sbr.ind lr, $3  }
0x3a: {  	_ = 	snop  }
0x3b: {  	_ = 	snop  }
0x3c: {  	p2 =	seq.s32 s10, $0x1;
	s10 =	sld [smem:$0x3FB0]  }
0x3d: {  	_ =	shalt  }
0x3e: {  	_ =	shalt  }
0x3f: {  	_ =	shalt  }
0x40: {  	_ =	shalt  }
0x41: {  	_ =	shalt  }
0x42: {  	_ =	shalt  }
0x43: {  	_ =	shalt  }
0x44: {  	_ =	shalt  }
0x45: {  	_ =	shalt  }
0x46: {  	_ =	shalt  }
0x47: {  	_ =	shalt  }
0x48: {  	_ =	shalt  }
0x49: {  	_ =	shalt  }
0x4a: {  	_ =	shalt  }
0x4b: {  	_ =	shalt  }
0x4c: {  	_ =	shalt  }
0x4d: {  	_ =	shalt  }
0x4e: {  	_ =	shalt  }
0x4f: {  	_ =	shalt  }
0x50: {  	_ =	shalt  }
0x51: {  	_ =	shalt  }
0x52: {  	_ =	shalt  }
0x53: {  	_ =	shalt  }
0x54: {  	_ =	shalt  }
0x55: {  	_ =	shalt  }
0x56: {  	_ =	shalt  }
0x57: {  	_ =	shalt  }
0x58: {  	_ =	shalt  }
0x59: {  	_ =	shalt  }
0x5a: {  	_ =	shalt  }
0x5b: {  	_ =	shalt  }
0x5c: {  	_ =	shalt  }
0x5d: {  	_ =	shalt  }
0x5e: {  	_ =	shalt  }
0x5f: {  	_ =	shalt  }
0x60: {  	_ =	shalt  }
0x61: {  	_ =	shalt  }
0x62: {  	_ =	shalt  }
0x63: {  	_ =	shalt  }
0x64: {  	_ =	shalt  }
0x65: {  	_ =	shalt  }
0x66: {  	_ =	shalt  }
0x67: {  	_ =	shalt  }
0x68: {  	_ =	shalt  }
0x69: {  	_ =	shalt  }
0x6a: {  	_ =	shalt  }
0x6b: {  	_ =	shalt  }
0x6c: {  	_ =	shalt  }
0x6d: {  	_ =	shalt  }
0x6e: {  	_ =	shalt  }
0x6f: {  	_ =	shalt  }
0x70: {  	_ =	shalt  }
0x71: {  	_ =	shalt  }
0x72: {  	_ =	shalt  }
0x73: {  	_ =	shalt  }
0x74: {  	_ =	shalt  }
0x75: {  	_ =	shalt  }
0x76: {  	_ =	shalt  }
0x77: {  	_ =	shalt  }
0x78: {  	_ =	shalt  }
0x79: {  	_ =	shalt  }
0x7a: {  	_ =	shalt  }
0x7b: {  	_ =	shalt  }
0x7c: {  	_ =	shalt  }
0x7d: {  	_ =	shalt  }
0x7e: {  	_ =	shalt  }
0x7f: {  	_ =	shalt  }
0x80: {  	_ =	shalt  }
0x81: {  	_ =	shalt  }
0x82: {  	_ =	shalt  }
0x83: {  	_ =	shalt  }
0x84: {  	_ =	shalt  }
0x85: {  	_ =	shalt  }
0x86: {  	_ =	shalt  }
0x87: {  	_ =	shalt  }
.Lfunc_end0:
.L_simem_size_0:
called_computation_lowered:
.L_overlay_start_0:
0x88: {  	s2 =	sld [smem:$0x3FD9]  }
0x89: {  	s3 =	sld [smem:$0x3FFE];
	_ =	sdelay $0x1  }
0x8a: {  	s1 =	srdreg.scid  }
0x8b: {  	s0 =	sand.u32 $0x1, s1  }
0x8c: {  	s17 =	sshll.u32 s0, $0xA;
	s2 =	sadd.s32 s3, s2  }
0x8d: {  	s2 =	sadd.s32 s2, s17  }
0x8e: {  	[smem:$0x3FBC] =	sst s2  }
0x8f: {  	_ = 	snop  }
0x90: {  	s4 =	sld [smem:$0x3FC9]  }
0x91: {  	s18 =	sld [smem:$0x3FD0];
	(tm) =	ssettm $0x1  }
0x92: {  	s19 =	sld [smem:$0x3FFB];
	_ =	sdelay $0x3  }
0x93: {  	_ =	strace s19  }
0x94: {  	s2 =	sld [smem:$0x3FFC];
	_ =	sdelay $0x3  }
0x95: {  	_ =	strace s2  }
0x96: {  	s2 =	sld [smem:$0x3FFD];
	_ =	sdelay $0x3  }
0x97: {  	_ =	strace s2  }
0x98: {  	_ =	strace $0x8FFFFFFF  }
0x99: {  	s20 =	sld [smem:$0x3FDB];
	_ =	sdelay $0x1  }
0x9a: {  	s5 =	simm.s32 $_scs_section_size  }
0x9b: {  	s6 =	simm.s32 $_size__tile_overlayer_lowered;
	s7 =	simm.s32 $_tile_overlayer_lowered  }
0x9c: {  	s8 =	simm.s32 $0x1BFF;
	s21 =	sshll.u32 s7, $0x1;
	s5 =	sadd.s32 s5, s20  }
0x9d: {  	s22 =	simm.s32 $0x0;
	s6 =	sshll.u32 s6, $0x1;
	s7 =	sadd.s32 s21, s5  }
0x9e: {  	[timem:s22], [sflag:s8] =	dma.local [hbm:s7], s6  }
0x9f: {  	_ =	swait.ge [sflag:s8], s6  }
0xa0: {  	s6 =	ssub.s32 $0x0, s6;
	[sflag:s8] =	ssyncset.done $0x0  }
0xa1: {  	[sflag:s8] =	ssyncadd.s32 s6;
	_ =	sdelay $0x1  }
0xa2: {  	s23 =	simm.s32 $0x1B8B  }
0xa3: {  	_ =	swait.ge [sflag:s23], $0x1  }
0xa4: {  	[sflag:s23] =	ssyncset.done $0x0  }
0xa5: {  	[sflag:s23] =	ssyncadd.s32 $0xFFFFFFFF  }
0xa6: {  	s6 =	sld [smem:$0x0]  }
0xa7: {  	s7 =	sand.u32 $0xFFFFFFFE, s1  }
0xa8: {  	p0 =	sne.s32 s1, s7  }
0xa9: {  	s7 =	sshll.u32 @p0 s7, $0xE  }
0xaa: {  	s7 =	sadd.s32 @p0 $0x11B8D, s7;
	s8 =	sshll.u32 @p0 s6, $0x11  }
0xab: {  	s7 =	sor.u32 @p0 s8, s7  }
0xac: {  	[sflag:s7] =	ssyncadd.remote.s32 @p0 $0x1;
	_ =	sdelay $0x1  }
0xad: {  	s7 =	simm.s32 @p0 $0x1B8D  }
0xae: {  	_ =	swait.eq @p0 [sflag:s7], $0x1  }
0xaf: {  	[sflag:s7] =	ssyncadd.s32 @p0 $0xFFFFFFFF  }
0xb0: {  	s8 =	sshll.u32 @!p0 s1, $0xE  }
0xb1: {  	s8 =	sor.u32 @!p0 $0x4000, s8;
	s7 =	simm.s32 @!p0 $0x1B8D  }
0xb2: {  	s6 =	sshll.u32 @!p0 s6, $0x11;
	s8 =	sadd.s32 @!p0 $0x11B8D, s8;
	_ =	swait.eq @!p0 [sflag:s7], $0x1  }
0xb3: {  	s6 =	sor.u32 @!p0 s6, s8;
	[sflag:s7] =	ssyncadd.s32 @!p0 $0xFFFFFFFF  }
0xb4: {  	s25 =	simm.s32 $0x1B8E;
	s24 =	sld [smem:$0x3FFE];
	[sflag:s6] =	ssyncadd.remote.s32 @!p0 $0x1  }
0xb5: {  	s26 =	simm.s32 $execute0_lowered;
	[smem:$0x3FD2] =	sst s25  }
0xb6: {  	s7 =	sshll.u32 s26, $0x1;
	_ =	strace $0x80000049;
	[dreg:$0x1] =	wrdreg $0xFFFFFFFF  }
0xb7: {  	s28 =	simm.s32 $_size_execute0_lowered;
	s5 =	sadd.s32 s5, s7;
	[dreg:$0x0] =	wrdreg $0x0  }
0xb8: {  	s7 =	sshll.u32 s28, $0x1;
	[dreg:$0x2] =	wrdreg s5  }
0xb9: {  	[dreg:$0x3] =	wrdreg s7  }
0xba: {  	[dreg:$0x4] =	wrdreg $0xC0  }
0xbb: {  	_ =	task [dreg:s22], $0x5FFFF  }
0xbc: {  	[dreg:$0x1] =	wrdreg $0xFFFFFFFF  }
0xbd: {  	[dreg:$0x0] =	wrdreg $0x60  }
0xbe: {  	[dreg:$0x2] =	wrdreg s4  }
0xbf: {  	[dreg:$0x3] =	wrdreg s24  }
0xc0: {  	[dreg:$0x4] =	wrdreg s18  }
0xc1: {  	[dreg:$0x5] =	wrdreg $0x82000  }
0xc2: {  	[dreg:$0x6] =	wrdreg $0x9  }
0xc3: {  	_ =	task.clear_ibuf [dreg:s22], $0x7FFFF;
	_ =	strace $0x90000049  }
0xc4: {  	s29 =	simm.s32 $0x9;
	_ =	strace $0x8000004B  }
0xc5: {  	_ =	swait.ge [sflag:s29], $0x1  }
0xc6: {  	[sflag:s29] =	ssyncadd.s32 $0xFFFFFFFF  }
0xc7: {  	_ =	strace $0x9000004B  }
0xc8: {  	_ =	sfence  }
0xc9: {  	s30 =	sld [smem:$0x0];
	_ =	sdelay $0x2  }
0xca: {  	s31 =	sshll.u32 s1, $0xD;
	s1 =	sshrl.u32 s1, $0x2  }
0xcb: {  	s4 =	sand.u32 $0x4000, s31;
	s1 =	sadd.s32 s1, s30  }
0xcc: {  	s0 =	sor.u32 s4, s0;
	s1 =	sshll.u32 s1, $0x11  }
0xcd: {  	s0 =	sor.u32 s1, s0  }
0xce: {  	s0 =	sadd.s32 $0x8F2B, s0  }
0xcf: {  	[sflag:s0] =	ssyncadd.remote.s32 $0x1  }
0xd0: {  	_ =	sfence.sel $0xFFFF  }
0xd1: {  	[dreg:$0x0] =	wrdreg $0xFFFFFFFF;
	(pc) =	sbr.abs _section_cstart, $3  }
0xd2: {  	[dreg:$0x1] =	wrdreg $0xFFFFFFFF  }
0xd3: {  	_ =	task.clear_ibuf [dreg:s22], $0x2FFFF;
	_ =	strace $0x9FFFFFFF  }
0xd4: {  	(tm) =	ssettm $0x7FFFFFFF  }
0xd5: {  	_ =	shalt  }
tec
execute0_lowered:
.L_overlay_start_1:
0x0: {  	(tag) =	ssettag $0x1  }
0x1: {  	s1 =	rddreg [dreg:$0x0]  }
0x2: {  	s6 =	rddreg [dreg:$0x1]  }
0x3: {  	s3 =	rddreg [dreg:$0x2]  }
0x4: {  	s4 =	rddreg [dreg:$0x3]  }
0x5: {  	s0 =	rddreg [dreg:$0x4]  }
0x6: {  	s7 =	srdreg.scid;
	s2 =	stileid.u32;
	s5 =	simm.s32 $0x0  }
0x7: {  	s15 =	simm.s32 $0x4200;
	s16 =	simm.s32 $0x1;
	s8 =	smul.u32 $0x2780, s2  }
0x8: {  	s17 =	simm.s32 $0x2;
	s18 =	simm.s32 $0x180;
	s29 =	smul.u32 $0x4F000, s2  }
0x9: {  	s19 =	simm.s32 $0x3;
	s7 =	sand.u32 $0x1, s7;
	s12 =	smul.u32 $0xA00, s2  }
0xa: {  	s20 =	simm.s32 $0x0;
	[smem:$0x7FF] =	sst s5;
	s9 =	smul.u32 $0x27800, s7  }
0xb: {  	s11 =	sshll.u32 s2, $0x6;
	s10 =	smul.u32 $0xA000, s7;
	s7 =	ssub.s32 $0x2, s7  }
0xc: {  	_ =	strace $0x8000004A;
	s30 =	sshrl.u32 s7, $0x1;
	s8 =	sadd.s32 s8, s9  }
0xd: {  	s10 =	sadd.s32 s10, s6;
	s9 =	sshrl.u32 s29, $0x2;
	s13 =	ssub.s32 s7, s30  }
0xe: {  	s8 =	sadd.s32 s8, s6;
	s14 =	sadd.s32 s9, s4;
	s6 =	sor.u32 $0x1C04, s11  }
0xf: {  	s31 =	sadd.s32 s12, s10;
	s11 =	simm.s32 $0x4;
	s12 =	simm.s32 $0x100  }
0x10: {  	s7 =	sadd.s32 $0x65A00, s8;
	s8 =	smax.u32 s13, $0x1;
	s9 =	sadd.s32 $0x2200, s31  }
0x11: {  	s10 =	sshrl.u32 s14, $0x3;
	s13 =	simm.s32 $0x80;
	s14 =	simm.s32 $0x200  }
.LBB2_1:
0x12: {  	[spmem:s10], [sflag:s6] =	dma.local [hbm:s3], $0x2780  }
0x13: {  	_ =	swait.ge [sflag:s11], $0x2780  }
0x14: {  	[sflag:s11] =	ssyncset.done $0x0  }
0x15: {  	[sflag:s11] =	ssyncadd.s32 $0xFFFFD880  }
0x16: {  	s21 =	sadd.s32 $0x0, s9;
	[bflag:$0x0] =	sbarrier.arrive $0xFFFF  }
0x17: {  	[tilespmem:s5], [sflag:$0x4] =	stream.linear.gather [hbm4b:s21+s5], $0x100, $0x38;
	[tilespmem:$0x1BE00] =	vst v63  }
0x18: {  	_ =	swait.ge [sflag:s11], $0x100  }
0x19: {  	[sflag:s11] =	ssyncset.done $0x0  }
0x1a: {  	s21 =	sadd.s32 $0x20, s21;
	[sflag:s11] =	ssyncadd.s32 $0xFFFFFF00  }
0x1b: {  	[tilespmem:s12], [sflag:$0x4] =	stream.linear.gather [hbm4b:s21+s5], $0x100, $0x38;
	[tilespmem:$0x1BE00] =	vst v63  }
0x1c: {  	_ =	swait.ge [sflag:s11], $0x100  }
0x1d: {  	[sflag:s11] =	ssyncset.done $0x0  }
0x1e: {  	[sflag:s11] =	ssyncadd.s32 $0xFFFFFF00  }
0x1f: {  	[tilespmem:s14], [sflag:$0x1] =	stream.indirect.gather [hbm4b:s1+s13], $0x80, s5, s13, $0xb8;
	[tilespmem:$0x1BE00] =	vst v63  }
0x20: {  	_ = 	snop  }
0x21: {  	[tilespmem:s15], [sflag:$0x2] =	stream.indirect.gather [hbm4b:s1+s13], $0x80, s12, s13, $0xb8;
	[tilespmem:$0x1BE00] =	vst v63  }
0x22: {  	_ =	swait.ge [sflag:s16], $0x4000  }
0x23: {  	[sflag:s16] =	ssyncset.done $0x0  }
0x24: {  	[sflag:s16] =	ssyncadd.s32 $0xFFFFC000  }
0x25: {  	[spmem:s4] =	stream.indirect.scatter.add.f32 [tilespmem:s14], [sflag:$0x3], $0x80, s13, s13, $0xb8;
	[tilespmem:$0x1BE00] =	vst v63  }
0x26: {  	_ =	swait.ge [sflag:s17], $0x4000  }
0x27: {  	[sflag:s17] =	ssyncset.done $0x0  }
0x28: {  	[sflag:s17] =	ssyncadd.s32 $0xFFFFC000  }
0x29: {  	[spmem:s4] =	stream.indirect.scatter.add.f32 [tilespmem:s15], [sflag:$0x3], $0x80, s18, s13, $0xb8;
	[tilespmem:$0x1BE00] =	vst v63  }
0x2a: {  	_ =	swait.ge [sflag:s19], $0x4000  }
0x2b: {  	[sflag:s19] =	ssyncset.done $0x0  }
0x2c: {  	[sflag:s19] =	ssyncadd.s32 $0xFFFFC000  }
0x2d: {  	_ =	swait.ge [sflag:s19], $0x4000  }
0x2e: {  	s22 =	simm.s32 $0x80;
	s21 =	simm.s32 $0x40;
	[sflag:s19] =	ssyncset.done $0x0  }
.LBB2_2:
0x2f: {  	s23 =	sadd.s32 s21, s9  }
0x30: {  	[sflag:s19] =	ssyncadd.s32 $0xFFFFC000;
	s21 =	smov.u32 s22;
	s24 =	sadd.s32 $0x40, s22  }
0x31: {  	[tilespmem:s5], [sflag:$0x4] =	stream.linear.gather [hbm4b:s23+s5], $0x100, $0x38;
	[tilespmem:$0x1BE00] =	vst v63  }
0x32: {  	p0 =	sne.s32 s22, $0x9C0;
	_ =	swait.ge [sflag:s11], $0x100  }
0x33: {  	[sflag:s11] =	ssyncset.done $0x0  }
0x34: {  	s22 =	sadd.s32 $0x20, s23;
	[sflag:s11] =	ssyncadd.s32 $0xFFFFFF00  }
0x35: {  	[tilespmem:s12], [sflag:$0x4] =	stream.linear.gather [hbm4b:s22+s5], $0x100, $0x38;
	[tilespmem:$0x1BE00] =	vst v63  }
0x36: {  	_ =	swait.ge [sflag:s11], $0x100  }
0x37: {  	[sflag:s11] =	ssyncset.done $0x0  }
0x38: {  	[sflag:s11] =	ssyncadd.s32 $0xFFFFFF00  }
0x39: {  	[tilespmem:s14], [sflag:$0x1] =	stream.indirect.gather [hbm4b:s1+s13], $0x80, s5, s13, $0xb8;
	[tilespmem:$0x1BE00] =	vst v63  }
0x3a: {  	_ = 	snop  }
0x3b: {  	[tilespmem:s15], [sflag:$0x2] =	stream.indirect.gather [hbm4b:s1+s13], $0x80, s12, s13, $0xb8;
	[tilespmem:$0x1BE00] =	vst v63  }
0x3c: {  	_ =	swait.ge [sflag:s16], $0x4000  }
0x3d: {  	[sflag:s16] =	ssyncset.done $0x0  }
0x3e: {  	[sflag:s16] =	ssyncadd.s32 $0xFFFFC000  }
0x3f: {  	[spmem:s4] =	stream.indirect.scatter.add.f32 [tilespmem:s14], [sflag:$0x3], $0x80, s13, s13, $0xb8;
	[tilespmem:$0x1BE00] =	vst v63  }
0x40: {  	_ =	swait.ge [sflag:s17], $0x4000  }
0x41: {  	[sflag:s17] =	ssyncset.done $0x0  }
0x42: {  	[sflag:s17] =	ssyncadd.s32 $0xFFFFC000  }
0x43: {  	[spmem:s4] =	stream.indirect.scatter.add.f32 [tilespmem:s15], [sflag:$0x3], $0x80, s18, s13, $0xb8;
	[tilespmem:$0x1BE00] =	vst v63  }
.Ltmp0:
0x44: {  	_ =	swait.ge [sflag:s19], $0x4000;
	(pc) =	sbr.rel @p0 .LBB2_2-.Ltmp0, $4  }
0x45: {  	[sflag:s19] =	ssyncset.done $0x0  }
0x46: {  	[sflag:s19] =	ssyncadd.s32 $0xFFFFC000  }
0x47: {  	_ =	swait.ge [sflag:s19], $0x4000  }
0x48: {  	s22 =	smov.u32 s24;
	[sflag:s19] =	ssyncset.done $0x0  }
0x49: {  	s21 =	sadd.s32 s21, s9;
	[sflag:s19] =	ssyncadd.s32 $0xFFFFC000  }
0x4a: {  	[tilespmem:s5], [sflag:$0x4] =	stream.linear.gather [hbm4b:s21+s5], $0x100, $0x38;
	[tilespmem:$0x1BE00] =	vst v63  }
0x4b: {  	_ =	swait.ge [sflag:s11], $0x100  }
0x4c: {  	[sflag:s11] =	ssyncset.done $0x0  }
0x4d: {  	s21 =	sadd.s32 $0x20, s21;
	[sflag:s11] =	ssyncadd.s32 $0xFFFFFF00  }
0x4e: {  	[tilespmem:s12], [sflag:$0x4] =	stream.linear.gather [hbm4b:s21+s5], $0x100, $0x38;
	[tilespmem:$0x1BE00] =	vst v63  }
0x4f: {  	_ =	swait.ge [sflag:s11], $0x100  }
0x50: {  	[sflag:s11] =	ssyncset.done $0x0  }
0x51: {  	[sflag:s11] =	ssyncadd.s32 $0xFFFFFF00  }
0x52: {  	[tilespmem:s14], [sflag:$0x1] =	stream.indirect.gather [hbm4b:s1+s13], $0x80, s5, s13, $0xb8;
	[tilespmem:$0x1BE00] =	vst v63  }
0x53: {  	_ = 	snop  }
0x54: {  	[tilespmem:s15], [sflag:$0x2] =	stream.indirect.gather [hbm4b:s1+s13], $0x80, s12, s13, $0xb8;
	[tilespmem:$0x1BE00] =	vst v63  }
0x55: {  	_ =	swait.ge [sflag:s16], $0x4000  }
0x56: {  	[sflag:s16] =	ssyncset.done $0x0  }
0x57: {  	[sflag:s16] =	ssyncadd.s32 $0xFFFFC000  }
0x58: {  	[spmem:s4] =	stream.indirect.scatter.add.f32 [tilespmem:s14], [sflag:$0x3], $0x80, s13, s13, $0xb8;
	[tilespmem:$0x1BE00] =	vst v63  }
0x59: {  	_ =	swait.ge [sflag:s17], $0x4000  }
0x5a: {  	[sflag:s17] =	ssyncset.done $0x0  }
0x5b: {  	[sflag:s17] =	ssyncadd.s32 $0xFFFFC000  }
0x5c: {  	[spmem:s4] =	stream.indirect.scatter.add.f32 [tilespmem:s15], [sflag:$0x3], $0x80, s18, s13, $0xb8;
	[tilespmem:$0x1BE00] =	vst v63  }
0x5d: {  	_ =	swait.ge [sflag:s19], $0x4000  }
0x5e: {  	[sflag:s19] =	ssyncset.done $0x0  }
0x5f: {  	[sflag:s19] =	ssyncadd.s32 $0xFFFFC000  }
0x60: {  	_ =	swait.ge [sflag:s19], $0x4000  }
0x61: {  	s20 =	sadd.s32 $0x1, s20;
	[sflag:s19] =	ssyncset.done $0x0  }
0x62: {  	p0 =	sne.s32 s20, s8;
	[sflag:s19] =	ssyncadd.s32 $0xFFFFC000  }
.Ltmp1:
0x63: {  	[bflag:$0x0] =	sbarrier.arrive $0xFFFF;
	(pc) =	sbr.rel @p0 .LBB2_1-.Ltmp1, $4  }
0x64: {  	[hbm:s7], [sflag:s6] =	dma.local [spmem:s10], $0x2780  }
0x65: {  	_ =	swait.ge [sflag:s11], $0x2780  }
0x66: {  	[sflag:s11] =	ssyncset.done $0x0  }
0x67: {  	[sflag:s11] =	ssyncadd.s32 $0xFFFFD880  }
0x68: {  	_ =	sfence.sel $0x180000  }
0x69: {  	[bflag:$0x0] =	sbarrier.arrive $0xFFFF  }
0x6a: {  	p0 =	sne.s32 s2, $0x0;
	_ =	strace $0x9000004A  }
0x6b: {  	s0 =	sadd.s32 @!p0 $0x100000, s0;
	[bflag:$0x2] =	sbarrier.arrive $0xFFFF  }
0x6c: {  	[sflag:s0] =	ssyncadd.tile.s32 @!p0 $0x1;
	_ =	shalt  }
.Lfunc_end2:
_tile_overlayer_lowered:
.L_overlay_start_2:
0x6d: {  	(tag) =	ssettag $0x2  }
0x6e: {  	s0 =	rddreg [dreg:$0x0];
	s2 =	stileid.u32  }
0x6f: {  	s1 =	rddreg [dreg:$0x1];
	p0 =	sne.s32 s2, $0x0  }
0x70: {  	s3 =	rddreg [dreg:$0x2];
	[bflag:$0x3] =	sbarrier.arrive $0xFFFF;
	s2 =	simm.s32 @!p0 $0x1C04  }
0x71: {  	[timem:s3], [sflag:s2] =	dma.local @!p0 [hbm:s0], s1  }
0x72: {  	s0 =	simm.s32 @!p0 $0x4  }
0x73: {  	_ =	swait.ge @!p0 [sflag:s0], s1  }
0x74: {  	s1 =	ssub.s32 @!p0 $0x0, s1;
	[sflag:s0] =	ssyncset.done @!p0 $0x0  }
0x75: {  	[sflag:s0] =	ssyncadd.s32 @!p0 s1  }
0x76: {  	[bflag:$0x3] =	sbarrier.arrive $0xFFFF  }
0x77: {  	_ =	shalt  }

</sc_bundles>
